<compile_context>
chip_gen: v7x
topology: tpu7x:2x2x1
jax: 0.10.2.dev20260603
libtpu: 0.0.44.dev20260713+nightly
codegen_flags: <defaults>
</compile_context>

<pallas_src>
import functools

import jax
import jax.numpy as jnp
import numpy as np
from jax import lax
from jax.experimental import pallas as pl
from jax.experimental.pallas import tpu as pltpu
from jax.experimental.pallas import tpu_sc as plsc

W = 346
H = 260
DECAY = 0.1
N_EV = 50000
C = W + H + 1
EBL = 2560
NST = 2
NBL = 10
EBC = 1024
NBC = 50
PIX = 2 * W * H
NREP = 4
NGRP = 8
PER = 22528
PIXPAD = NGRP * PER
N_EVP = 50176
EQ = N_EVP // NREP


def _extract_body(*refs):
    s_refs, (w_ref, idx_ref, dt_ref) = refs[:NST], refs[NST:]
    for h, s_ref in enumerate(s_refs):
        a = s_ref[:, 0, :]
        P = jnp.dot(w_ref[...], a, preferred_element_type=jnp.float32)
        xh, xl, pol = P[0:1, :], P[1:2, :], P[2:3, :]
        yh, yl = P[3:4, :], P[4:5, :]
        x = (xh * pol) * 32.0 + (xl * pol)
        y = yh * 32.0 + yl
        iflat = y * float(W) + x + jnp.where(pol < 0, float(W * H), 0.0)
        ev = (pl.program_id(0) * (NST * EBL) + h * EBL
              + lax.broadcasted_iota(jnp.int32, (1, EBL), 1))
        valid = ev < N_EV
        idx_ref[0, h] = jnp.where(valid, jnp.round(iflat), float(PIXPAD - 1)
                                  ).astype(jnp.int32)[0]
        dt_ref[0, h] = jnp.where(valid, a[C - 1:C, :], 0.0)[0]


def _cumsum_body(dt_ref, t_ref):
    d = dt_ref[...]
    ri = lax.broadcasted_iota(jnp.int32, (EBC, EBC), 0)
    ci = lax.broadcasted_iota(jnp.int32, (EBC, EBC), 1)
    T = (ri <= ci).astype(jnp.float32)
    Csum = jnp.dot(d, T, preferred_element_type=jnp.float32,
                   precision=lax.Precision.HIGHEST)
    r = Csum[:, EBC - 1:EBC]
    ri2 = lax.broadcasted_iota(jnp.int32, (NBC, NBC), 0)
    ci2 = lax.broadcasted_iota(jnp.int32, (NBC, NBC), 1)
    S = (ci2 < ri2).astype(jnp.float32)
    p = jnp.dot(S, r, preferred_element_type=jnp.float32,
                precision=lax.Precision.HIGHEST)
    t_ref[...] = Csum + p


def _sc_scatter_body(idx_hbm, t_hbm, out_hbm, map_v, idx_v, t_v):
    c = lax.axis_index("c")
    s = lax.axis_index("s")
    grp = c * 4 + s // 4
    rep = s % 4
    lo = grp * PER
    eb = rep * EQ
    pltpu.sync_copy(idx_hbm.at[pl.ds(eb, EQ)], idx_v)
    pltpu.sync_copy(t_hbm.at[pl.ds(eb, EQ)], t_v)

    neg1 = jnp.full((16,), -1.0, jnp.float32)

    def init(i, carry):
        for j in range(8):
            k = pl.multiple_of(i * 128 + j * 16, 16)
            map_v[pl.ds(k, 16)] = neg1
        return carry

    lax.fori_loop(0, PER // 128, init, 0)

    def body(i, carry):
        for j in range(8):
            k = pl.multiple_of(i * 128 + j * 16, 16)
            idx = idx_v[pl.ds(k, 16)]
            t = t_v[pl.ds(k, 16)]
            rel = idx - lo
            m = (rel >= 0) & (rel < PER)
            relc = jnp.minimum(jnp.maximum(rel, 0), PER - 1)
            plsc.store_scatter(map_v, [relc], t, mask=m)
        return carry

    lax.fori_loop(0, EQ // 128, body, 0)
    pltpu.sync_copy(map_v, out_hbm.at[rep, pl.ds(lo, PER)])


def _finish_body(p_ref, n_ref, o_ref):
    p = jnp.max(p_ref[...], axis=0)
    n = jnp.max(n_ref[...], axis=0)
    o_ref[0] = jnp.where(p < 0, 109.0 / 255.0, jnp.exp(-DECAY * p))
    o_ref[1] = jnp.where((p < 0) & (n < 0), 1.0, 0.0)
    o_ref[2] = jnp.where(n < 0, 106.0 / 255.0, jnp.exp(-DECAY * n))


_WNP = np.zeros((128, C), np.float32)
_WNP[0, :W] = np.arange(W) // 32
_WNP[1, :W] = np.arange(W) % 32
_WNP[2, :W] = 1.0
_WNP[3, W:W + H] = np.arange(H) // 32
_WNP[4, W:W + H] = np.arange(H) % 32

@functools.cache
def _sc_scatter():
    return pl.kernel(
        _sc_scatter_body,
        out_type=jax.ShapeDtypeStruct((NREP, PIXPAD), jnp.float32),
        mesh=plsc.VectorSubcoreMesh(core_axis_name="c", subcore_axis_name="s",
                                    num_cores=2, num_subcores=16),
        scratch_types=[pltpu.VMEM((PER,), jnp.float32),
                       pltpu.VMEM((EQ,), jnp.int32),
                       pltpu.VMEM((EQ,), jnp.float32)],
        compiler_params=pltpu.CompilerParams(needs_layout_passes=False),
    )


def kernel(spikes, yes_no, time_map_pos, time_map_neg):
    spT = jnp.transpose(spikes, (2, 0, 1))
    Wm = jnp.asarray(_WNP)
    idx2, dt2 = pl.pallas_call(
        _extract_body,
        grid=(NBL,),
        in_specs=[pl.BlockSpec((C, 1, EBL),
                               functools.partial(
                                   lambda h, i: (0, 0, NST * i + h), h))
                  for h in range(NST)]
                 + [pl.BlockSpec((128, C), lambda i: (0, 0))],
        out_specs=[pl.BlockSpec((1, NST, EBL), lambda i: (i, 0, 0)),
                   pl.BlockSpec((1, NST, EBL), lambda i: (i, 0, 0))],
        out_shape=[jax.ShapeDtypeStruct((NBL, NST, EBL), jnp.int32),
                   jax.ShapeDtypeStruct((NBL, NST, EBL), jnp.float32)],
    )(*([spT] * NST), Wm)
    times2 = pl.pallas_call(
        _cumsum_body,
        out_shape=jax.ShapeDtypeStruct((NBC, EBC), jnp.float32),
    )(dt2.reshape(NBC, EBC))
    maps = _sc_scatter()(idx2.reshape(-1)[:N_EVP], times2.reshape(-1)[:N_EVP])
    posm = maps[:, :W * H].reshape(NREP, H, W)
    negm = maps[:, W * H:PIX].reshape(NREP, H, W)
    out = pl.pallas_call(
        _finish_body,
        out_shape=jax.ShapeDtypeStruct((3, H, W), jnp.float32),
    )(posm, negm)
    return jnp.transpose(out, (2, 1, 0))

# --- scband reference (transcript-rebuilt; emitter-appended) ---
"""Pipeline reference for scband-time-surf-module-33612414059025 (READ-ONLY COPY).

The authoritative reference and input builder live on the scoring server;
editing this copy changes nothing except your own understanding.
"""

import jax, jax.numpy as jnp
import numpy as np

W = 346
H = 260
DECAY = 0.1
N_EV = 50000


def setup_inputs() -> dict:
    rng = np.random.default_rng(0)
    x_idx = rng.integers(0, W, N_EV)
    y_idx = rng.integers(0, H, N_EV)
    pol = rng.choice(np.array([-1.0, 1.0], dtype=np.float32), N_EV)
    dt = rng.uniform(0.0, 1e-4, N_EV).astype(np.float32)
    spikes = np.zeros((1, N_EV, W + H + 1), dtype=np.float32)
    ev = np.arange(N_EV)
    spikes[0, ev, x_idx] = pol
    spikes[0, ev, W + y_idx] = 1.0
    spikes[0, :, -1] = dt
    # NOTE: the original forward indexes length-sum(yn) arrays with full-length
    # boolean masks, which only runs without error when yes_no is all True.
    yes_no = np.ones((1, N_EV), dtype=bool)
    imax = float(np.iinfo(np.int32).max)
    time_map_pos = jnp.full((W, H), imax, dtype=jnp.float32)
    time_map_neg = jnp.full((W, H), imax, dtype=jnp.float32)
    return {
        "spikes": jnp.asarray(spikes),
        "yes_no": jnp.asarray(yes_no),
        "time_map_pos": time_map_pos,
        "time_map_neg": time_map_neg,
    }


def reference(spikes, yes_no, time_map_pos, time_map_neg):
    yn = yes_no.reshape(-1)
    times = jnp.cumsum(spikes[:, :, -1])  # flattens like np.cumsum
    cur_time = times[-1]
    # one nonzero per event row -> argmax of the nonzero mask recovers np.where()[2]
    x = jnp.argmax(spikes[:, :, :W] != 0, axis=2).reshape(-1)
    y = jnp.argmax(spikes[:, :, W:-1] != 0, axis=2).reshape(-1)
    flat = spikes[:, :, :-1].reshape(-1, W + H)
    pol = jnp.take_along_axis(flat, x[:, None], axis=1)[:, 0]
    mask_pos = yn & (pol == 1)
    mask_neg = yn & (pol == -1)
    # masked-out events are routed to an out-of-range index and dropped by the scatter
    xp = jnp.where(mask_pos, x, W)
    yp = jnp.where(mask_pos, y, H)
    xn = jnp.where(mask_neg, x, W)
    yn2 = jnp.where(mask_neg, y, H)
    tmn = jnp.where(time_map_neg >= 0, time_map_neg + cur_time, time_map_neg)
    tmn = tmn.at[xn, yn2].set(times, mode="drop")
    channel_neg = jnp.exp(-DECAY * tmn)
    tmp = jnp.where(time_map_pos >= 0, time_map_pos + cur_time, time_map_pos)
    tmp = tmp.at[xp, yp].set(times, mode="drop")
    channel_pos = jnp.exp(-DECAY * tmp)
    ts1 = jnp.where((channel_pos != 0) | (channel_neg != 0), 0.0, 1.0)
    channel_pos = jnp.where(channel_pos == 0, 109.0 / 255.0, channel_pos)
    channel_neg = jnp.where(channel_neg == 0, 106.0 / 255.0, channel_neg)
    return jnp.stack([channel_pos, ts1, channel_neg], axis=-1)

if __name__ == "__main__":
    import jax
    _d = setup_inputs()
    print(jax.jit(kernel)(*tuple(_d.values())))

</pallas_src>

<mosaic_0001>
#map = affine_map<(d0, d1) -> (0)>
#map1 = affine_map<(d0, d1) -> (0, 0)>
module attributes {stable_mosaic.version = 14 : i64} {
  func.func @_sc_scatter_body(%arg0: i32, %arg1: i32, %arg2: memref<50176xi32, #tpu.memory_space<hbm>>, %arg3: memref<50176xf32, #tpu.memory_space<hbm>>, %arg4: memref<4x180224xf32, #tpu.memory_space<hbm>>, %arg5: memref<22528xf32, #tpu.memory_space<vmem>>, %arg6: memref<12544xi32, #tpu.memory_space<vmem>>, %arg7: memref<12544xf32, #tpu.memory_space<vmem>>) attributes {dimension_semantics = [#tpu.dimension_semantics<core_parallel>, #tpu.dimension_semantics<subcore_parallel>], iteration_bounds = array<i64: 2, 16>, scalar_prefetch = 0 : i64, scratch_operands = 3 : i64, tpu.core_type = #tpu.core_type<sc_vector_subcore>, window_params = [{transform_indices = #map}, {transform_indices = #map}, {transform_indices = #map1}]} {
    %mul3A = arith.constant 4 : i32
    %mul3A_0 = arith.muli %arg0, %mul3A : i32
    %jit3A = arith.constant 4 : i32
    %div3A = arith.divsi %arg1, %jit3A : i32
    %sign3A = arith.constant 0 : i32
    %sign3A_1 = arith.cmpi sgt, %arg1, %sign3A : i32
    %sign3A_2 = arith.extui %sign3A_1 : i1 to i32
    %sign3A_3 = arith.constant 0 : i32
    %sign3A_4 = arith.cmpi slt, %arg1, %sign3A_3 : i32
    %sign3A_5 = arith.extui %sign3A_4 : i1 to i32
    %sign3A_6 = arith.subi %sign3A_2, %sign3A_5 : i32
    %sign3A_7 = arith.constant 0 : i32
    %sign3A_8 = arith.cmpi sgt, %jit3A, %sign3A_7 : i32
    %sign3A_9 = arith.extui %sign3A_8 : i1 to i32
    %sign3A_10 = arith.constant 0 : i32
    %sign3A_11 = arith.cmpi slt, %jit3A, %sign3A_10 : i32
    %sign3A_12 = arith.extui %sign3A_11 : i1 to i32
    %sign3A_13 = arith.subi %sign3A_9, %sign3A_12 : i32
    %ne3A = arith.cmpi ne, %sign3A_6, %sign3A_13 : i32
    %rem3A = arith.remsi %arg1, %jit3A : i32
    %ne3A_14 = arith.constant 0 : i32
    %ne3A_15 = arith.cmpi ne, %rem3A, %ne3A_14 : i32
    %and3A = arith.andi %ne3A, %ne3A_15 : i1
    %sub3A = arith.constant 1 : i32
    %sub3A_16 = arith.subi %div3A, %sub3A : i32
    %select_n3A = arith.select %and3A, %sub3A_16, %div3A : i32
    %add3A = arith.addi %mul3A_0, %select_n3A : i32
    %jit3A_17 = arith.constant 4 : i32
    %eq3A = arith.constant 0 : i32
    %eq3A_18 = arith.cmpi eq, %jit3A_17, %eq3A : i32
    %jit3A_19 = arith.constant 1 : i32
    %select_n3A_20 = arith.select %eq3A_18, %jit3A_19, %jit3A_17 : i32
    %rem3A_21 = arith.remsi %arg1, %select_n3A_20 : i32
    %ne3A_22 = arith.constant 0 : i32
    %ne3A_23 = arith.cmpi ne, %rem3A_21, %ne3A_22 : i32
    %lt3A = arith.constant 0 : i32
    %lt3A_24 = arith.cmpi slt, %rem3A_21, %lt3A : i32
    %lt3A_25 = arith.constant 0 : i32
    %lt3A_26 = arith.cmpi slt, %select_n3A_20, %lt3A_25 : i32
    %ne3A_27 = arith.xori %lt3A_24, %lt3A_26 : i1
    %and3A_28 = arith.andi %ne3A_27, %ne3A_23 : i1
    %add3A_29 = arith.addi %rem3A_21, %select_n3A_20 : i32
    %select_n3A_30 = arith.select %and3A_28, %add3A_29, %rem3A_21 : i32
    %mul3A_31 = arith.constant 22528 : i32
    %mul3A_32 = arith.muli %add3A, %mul3A_31 : i32
    %mul3A_33 = arith.constant 12544 : i32
    %mul3A_34 = arith.muli %select_n3A_30, %mul3A_33 : i32
    "tpu.region"() ({
      %run_scoped3A = tpu.sem_alloc : memref<!tpu.dma_semaphore, #tpu.memory_space<semaphore_mem>>
      %dma_start3A = tpu.memref_slice %arg2[%mul3A_34] : memref<50176xi32, #tpu.memory_space<hbm>> -> memref<12544xi32, #tpu.memory_space<hbm>>
      %dma_start3A_47 = tpu.memref_slice %arg2[%mul3A_34] : memref<50176xi32, #tpu.memory_space<hbm>> -> memref<12544xi32, #tpu.memory_space<hbm>>
      tpu.enqueue_dma source(%dma_start3A_47 : memref<12544xi32, #tpu.memory_space<hbm>>) target(%arg6 : memref<12544xi32, #tpu.memory_space<vmem>>) target_semaphore(%run_scoped3A : memref<!tpu.dma_semaphore, #tpu.memory_space<semaphore_mem>>)
      %dma_wait3A = tpu.memref_slice %arg2[%mul3A_34] : memref<50176xi32, #tpu.memory_space<hbm>> -> memref<12544xi32, #tpu.memory_space<hbm>>
      %dma_wait3A_48 = tpu.memref_slice %arg2[%mul3A_34] : memref<50176xi32, #tpu.memory_space<hbm>> -> memref<12544xi32, #tpu.memory_space<hbm>>
      tpu.wait_dma2 semaphore(%run_scoped3A : memref<!tpu.dma_semaphore, #tpu.memory_space<semaphore_mem>>) src(%dma_wait3A_48 : memref<12544xi32, #tpu.memory_space<hbm>>) dst(%arg6 : memref<12544xi32, #tpu.memory_space<vmem>>)
      tpu.yield
    }) : () -> ()
    "tpu.region"() ({
      %run_scoped3A = tpu.sem_alloc : memref<!tpu.dma_semaphore, #tpu.memory_space<semaphore_mem>>
      %dma_start3A = tpu.memref_slice %arg3[%mul3A_34] : memref<50176xf32, #tpu.memory_space<hbm>> -> memref<12544xf32, #tpu.memory_space<hbm>>
      %dma_start3A_47 = tpu.memref_slice %arg3[%mul3A_34] : memref<50176xf32, #tpu.memory_space<hbm>> -> memref<12544xf32, #tpu.memory_space<hbm>>
      tpu.enqueue_dma source(%dma_start3A_47 : memref<12544xf32, #tpu.memory_space<hbm>>) target(%arg7 : memref<12544xf32, #tpu.memory_space<vmem>>) target_semaphore(%run_scoped3A : memref<!tpu.dma_semaphore, #tpu.memory_space<semaphore_mem>>)
      %dma_wait3A = tpu.memref_slice %arg3[%mul3A_34] : memref<50176xf32, #tpu.memory_space<hbm>> -> memref<12544xf32, #tpu.memory_space<hbm>>
      %dma_wait3A_48 = tpu.memref_slice %arg3[%mul3A_34] : memref<50176xf32, #tpu.memory_space<hbm>> -> memref<12544xf32, #tpu.memory_space<hbm>>
      tpu.wait_dma2 semaphore(%run_scoped3A : memref<!tpu.dma_semaphore, #tpu.memory_space<semaphore_mem>>) src(%dma_wait3A_48 : memref<12544xf32, #tpu.memory_space<hbm>>) dst(%arg7 : memref<12544xf32, #tpu.memory_space<vmem>>)
      tpu.yield
    }) : () -> ()
    %broadcast_in_dim3A = arith.constant -1.000000e+00 : f32
    %broadcast_in_dim3A_35 = vector.broadcast %broadcast_in_dim3A : f32 to vector<16xf32>
    %scan3A = arith.constant 0 : i32
    %scan3A_36 = arith.constant 0 : i32
    %scan3A_37 = arith.constant 176 : i32
    %scan3A_38 = arith.addi %scan3A_36, %scan3A_37 : i32
    %scan3A_39 = arith.constant 1 : i32
    scf.for %scan3A_47 = %scan3A_36 to %scan3A_38 step %scan3A_39  : i32 {
      %mul3A_48 = arith.constant 128 : i32
      %mul3A_49 = arith.muli %scan3A_47, %mul3A_48 : i32
      %add3A_50 = arith.constant 0 : i32
      %add3A_51 = arith.addi %mul3A_49, %add3A_50 : i32
      %multiple_of3A = tpu.assume_multiple %add3A_51, 16 : i32
      %swap3A = arith.index_cast %multiple_of3A : i32 to index
      %swap3A_52 = tpu.vector_load %arg5[%swap3A] {strides = array<i32>} : memref<22528xf32, #tpu.memory_space<vmem>>, vector<16xf32>,
      tpu.vector_store %arg5[%swap3A], %broadcast_in_dim3A_35 {strides = array<i32>} : memref<22528xf32, #tpu.memory_space<vmem>>, vector<16xf32>,
      %mul3A_53 = arith.constant 128 : i32
      %mul3A_54 = arith.muli %scan3A_47, %mul3A_53 : i32
      %add3A_55 = arith.constant 16 : i32
      %add3A_56 = arith.addi %mul3A_54, %add3A_55 : i32
      %multiple_of3A_57 = tpu.assume_multiple %add3A_56, 16 : i32
      %swap3A_58 = arith.index_cast %multiple_of3A_57 : i32 to index
      %swap3A_59 = tpu.vector_load %arg5[%swap3A_58] {strides = array<i32>} : memref<22528xf32, #tpu.memory_space<vmem>>, vector<16xf32>,
      tpu.vector_store %arg5[%swap3A_58], %broadcast_in_dim3A_35 {strides = array<i32>} : memref<22528xf32, #tpu.memory_space<vmem>>, vector<16xf32>,
      %mul3A_60 = arith.constant 128 : i32
      %mul3A_61 = arith.muli %scan3A_47, %mul3A_60 : i32
      %add3A_62 = arith.constant 32 : i32
      %add3A_63 = arith.addi %mul3A_61, %add3A_62 : i32
      %multiple_of3A_64 = tpu.assume_multiple %add3A_63, 16 : i32
      %swap3A_65 = arith.index_cast %multiple_of3A_64 : i32 to index
      %swap3A_66 = tpu.vector_load %arg5[%swap3A_65] {strides = array<i32>} : memref<22528xf32, #tpu.memory_space<vmem>>, vector<16xf32>,
      tpu.vector_store %arg5[%swap3A_65], %broadcast_in_dim3A_35 {strides = array<i32>} : memref<22528xf32, #tpu.memory_space<vmem>>, vector<16xf32>,
      %mul3A_67 = arith.constant 128 : i32
      %mul3A_68 = arith.muli %scan3A_47, %mul3A_67 : i32
      %add3A_69 = arith.constant 48 : i32
      %add3A_70 = arith.addi %mul3A_68, %add3A_69 : i32
      %multiple_of3A_71 = tpu.assume_multiple %add3A_70, 16 : i32
      %swap3A_72 = arith.index_cast %multiple_of3A_71 : i32 to index
      %swap3A_73 = tpu.vector_load %arg5[%swap3A_72] {strides = array<i32>} : memref<22528xf32, #tpu.memory_space<vmem>>, vector<16xf32>,
      tpu.vector_store %arg5[%swap3A_72], %broadcast_in_dim3A_35 {strides = array<i32>} : memref<22528xf32, #tpu.memory_space<vmem>>, vector<16xf32>,
      %mul3A_74 = arith.constant 128 : i32
      %mul3A_75 = arith.muli %scan3A_47, %mul3A_74 : i32
      %add3A_76 = arith.constant 64 : i32
      %add3A_77 = arith.addi %mul3A_75, %add3A_76 : i32
      %multiple_of3A_78 = tpu.assume_multiple %add3A_77, 16 : i32
      %swap3A_79 = arith.index_cast %multiple_of3A_78 : i32 to index
      %swap3A_80 = tpu.vector_load %arg5[%swap3A_79] {strides = array<i32>} : memref<22528xf32, #tpu.memory_space<vmem>>, vector<16xf32>,
      tpu.vector_store %arg5[%swap3A_79], %broadcast_in_dim3A_35 {strides = array<i32>} : memref<22528xf32, #tpu.memory_space<vmem>>, vector<16xf32>,
      %mul3A_81 = arith.constant 128 : i32
      %mul3A_82 = arith.muli %scan3A_47, %mul3A_81 : i32
      %add3A_83 = arith.constant 80 : i32
      %add3A_84 = arith.addi %mul3A_82, %add3A_83 : i32
      %multiple_of3A_85 = tpu.assume_multiple %add3A_84, 16 : i32
      %swap3A_86 = arith.index_cast %multiple_of3A_85 : i32 to index
      %swap3A_87 = tpu.vector_load %arg5[%swap3A_86] {strides = array<i32>} : memref<22528xf32, #tpu.memory_space<vmem>>, vector<16xf32>,
      tpu.vector_store %arg5[%swap3A_86], %broadcast_in_dim3A_35 {strides = array<i32>} : memref<22528xf32, #tpu.memory_space<vmem>>, vector<16xf32>,
      %mul3A_88 = arith.constant 128 : i32
      %mul3A_89 = arith.muli %scan3A_47, %mul3A_88 : i32
      %add3A_90 = arith.constant 96 : i32
      %add3A_91 = arith.addi %mul3A_89, %add3A_90 : i32
      %multiple_of3A_92 = tpu.assume_multiple %add3A_91, 16 : i32
      %swap3A_93 = arith.index_cast %multiple_of3A_92 : i32 to index
      %swap3A_94 = tpu.vector_load %arg5[%swap3A_93] {strides = array<i32>} : memref<22528xf32, #tpu.memory_space<vmem>>, vector<16xf32>,
      tpu.vector_store %arg5[%swap3A_93], %broadcast_in_dim3A_35 {strides = array<i32>} : memref<22528xf32, #tpu.memory_space<vmem>>, vector<16xf32>,
      %mul3A_95 = arith.constant 128 : i32
      %mul3A_96 = arith.muli %scan3A_47, %mul3A_95 : i32
      %add3A_97 = arith.constant 112 : i32
      %add3A_98 = arith.addi %mul3A_96, %add3A_97 : i32
      %multiple_of3A_99 = tpu.assume_multiple %add3A_98, 16 : i32
      %swap3A_100 = arith.index_cast %multiple_of3A_99 : i32 to index
      %swap3A_101 = tpu.vector_load %arg5[%swap3A_100] {strides = array<i32>} : memref<22528xf32, #tpu.memory_space<vmem>>, vector<16xf32>,
      tpu.vector_store %arg5[%swap3A_100], %broadcast_in_dim3A_35 {strides = array<i32>} : memref<22528xf32, #tpu.memory_space<vmem>>, vector<16xf32>,
    }
    %scan3A_40 = arith.constant 176 : i32
    %scan3A_41 = arith.constant 0 : i32
    %scan3A_42 = arith.constant 0 : i32
    %scan3A_43 = arith.constant 98 : i32
    %scan3A_44 = arith.addi %scan3A_42, %scan3A_43 : i32
    %scan3A_45 = arith.constant 1 : i32
    scf.for %scan3A_47 = %scan3A_42 to %scan3A_44 step %scan3A_45  : i32 {
      %mul3A_48 = arith.constant 128 : i32
      %mul3A_49 = arith.muli %scan3A_47, %mul3A_48 : i32
      %add3A_50 = arith.constant 0 : i32
      %add3A_51 = arith.addi %mul3A_49, %add3A_50 : i32
      %multiple_of3A = tpu.assume_multiple %add3A_51, 16 : i32
      %get3A = arith.index_cast %multiple_of3A : i32 to index
      %get3A_52 = tpu.vector_load %arg6[%get3A] {strides = array<i32>} : memref<12544xi32, #tpu.memory_space<vmem>>, vector<16xi32>,
      %get3A_53 = arith.index_cast %multiple_of3A : i32 to index
      %get3A_54 = tpu.vector_load %arg7[%get3A_53] {strides = array<i32>} : memref<12544xf32, #tpu.memory_space<vmem>>, vector<16xf32>,
      %sub3A_55 = vector.broadcast %mul3A_32 : i32 to vector<16xi32>
      %sub3A_56 = arith.subi %get3A_52, %sub3A_55 : vector<16xi32>
      %ge3A = arith.constant 0 : i32
      %ge3A_57 = vector.broadcast %ge3A : i32 to vector<16xi32>
      %ge3A_58 = arith.cmpi sge, %sub3A_56, %ge3A_57 : vector<16xi32>
      %lt3A_59 = arith.constant 22528 : i32
      %lt3A_60 = vector.broadcast %lt3A_59 : i32 to vector<16xi32>
      %lt3A_61 = arith.cmpi slt, %sub3A_56, %lt3A_60 : vector<16xi32>
      %and3A_62 = arith.andi %ge3A_58, %lt3A_61 : vector<16xi1>
      %max3A = arith.constant 0 : i32
      %max3A_63 = vector.broadcast %max3A : i32 to vector<16xi32>
      %max3A_64 = arith.maxsi %sub3A_56, %max3A_63 : vector<16xi32>
      %min3A = arith.constant 22527 : i32
      %min3A_65 = vector.broadcast %min3A : i32 to vector<16xi32>
      %min3A_66 = arith.minsi %max3A_64, %min3A_65 : vector<16xi32>
      tpu.vector_store_idx %arg5[%min3A_66], %get3A_54 masked %and3A_62 : memref<22528xf32, #tpu.memory_space<vmem>>[vector<16xi32>], vector<16xf32>, vector<16xi1>
      %mul3A_67 = arith.constant 128 : i32
      %mul3A_68 = arith.muli %scan3A_47, %mul3A_67 : i32
      %add3A_69 = arith.constant 16 : i32
      %add3A_70 = arith.addi %mul3A_68, %add3A_69 : i32
      %multiple_of3A_71 = tpu.assume_multiple %add3A_70, 16 : i32
      %get3A_72 = arith.index_cast %multiple_of3A_71 : i32 to index
      %get3A_73 = tpu.vector_load %arg6[%get3A_72] {strides = array<i32>} : memref<12544xi32, #tpu.memory_space<vmem>>, vector<16xi32>,
      %get3A_74 = arith.index_cast %multiple_of3A_71 : i32 to index
      %get3A_75 = tpu.vector_load %arg7[%get3A_74] {strides = array<i32>} : memref<12544xf32, #tpu.memory_space<vmem>>, vector<16xf32>,
      %sub3A_76 = vector.broadcast %mul3A_32 : i32 to vector<16xi32>
      %sub3A_77 = arith.subi %get3A_73, %sub3A_76 : vector<16xi32>
      %ge3A_78 = arith.constant 0 : i32
      %ge3A_79 = vector.broadcast %ge3A_78 : i32 to vector<16xi32>
      %ge3A_80 = arith.cmpi sge, %sub3A_77, %ge3A_79 : vector<16xi32>
      %lt3A_81 = arith.constant 22528 : i32
      %lt3A_82 = vector.broadcast %lt3A_81 : i32 to vector<16xi32>
      %lt3A_83 = arith.cmpi slt, %sub3A_77, %lt3A_82 : vector<16xi32>
      %and3A_84 = arith.andi %ge3A_80, %lt3A_83 : vector<16xi1>
      %max3A_85 = arith.constant 0 : i32
      %max3A_86 = vector.broadcast %max3A_85 : i32 to vector<16xi32>
      %max3A_87 = arith.maxsi %sub3A_77, %max3A_86 : vector<16xi32>
      %min3A_88 = arith.constant 22527 : i32
      %min3A_89 = vector.broadcast %min3A_88 : i32 to vector<16xi32>
      %min3A_90 = arith.minsi %max3A_87, %min3A_89 : vector<16xi32>
      tpu.vector_store_idx %arg5[%min3A_90], %get3A_75 masked %and3A_84 : memref<22528xf32, #tpu.memory_space<vmem>>[vector<16xi32>], vector<16xf32>, vector<16xi1>
      %mul3A_91 = arith.constant 128 : i32
      %mul3A_92 = arith.muli %scan3A_47, %mul3A_91 : i32
      %add3A_93 = arith.constant 32 : i32
      %add3A_94 = arith.addi %mul3A_92, %add3A_93 : i32
      %multiple_of3A_95 = tpu.assume_multiple %add3A_94, 16 : i32
      %get3A_96 = arith.index_cast %multiple_of3A_95 : i32 to index
      %get3A_97 = tpu.vector_load %arg6[%get3A_96] {strides = array<i32>} : memref<12544xi32, #tpu.memory_space<vmem>>, vector<16xi32>,
      %get3A_98 = arith.index_cast %multiple_of3A_95 : i32 to index
      %get3A_99 = tpu.vector_load %arg7[%get3A_98] {strides = array<i32>} : memref<12544xf32, #tpu.memory_space<vmem>>, vector<16xf32>,
      %sub3A_100 = vector.broadcast %mul3A_32 : i32 to vector<16xi32>
      %sub3A_101 = arith.subi %get3A_97, %sub3A_100 : vector<16xi32>
      %ge3A_102 = arith.constant 0 : i32
      %ge3A_103 = vector.broadcast %ge3A_102 : i32 to vector<16xi32>
      %ge3A_104 = arith.cmpi sge, %sub3A_101, %ge3A_103 : vector<16xi32>
      %lt3A_105 = arith.constant 22528 : i32
      %lt3A_106 = vector.broadcast %lt3A_105 : i32 to vector<16xi32>
      %lt3A_107 = arith.cmpi slt, %sub3A_101, %lt3A_106 : vector<16xi32>
      %and3A_108 = arith.andi %ge3A_104, %lt3A_107 : vector<16xi1>
      %max3A_109 = arith.constant 0 : i32
      %max3A_110 = vector.broadcast %max3A_109 : i32 to vector<16xi32>
      %max3A_111 = arith.maxsi %sub3A_101, %max3A_110 : vector<16xi32>
      %min3A_112 = arith.constant 22527 : i32
      %min3A_113 = vector.broadcast %min3A_112 : i32 to vector<16xi32>
      %min3A_114 = arith.minsi %max3A_111, %min3A_113 : vector<16xi32>
      tpu.vector_store_idx %arg5[%min3A_114], %get3A_99 masked %and3A_108 : memref<22528xf32, #tpu.memory_space<vmem>>[vector<16xi32>], vector<16xf32>, vector<16xi1>
      %mul3A_115 = arith.constant 128 : i32
      %mul3A_116 = arith.muli %scan3A_47, %mul3A_115 : i32
      %add3A_117 = arith.constant 48 : i32
      %add3A_118 = arith.addi %mul3A_116, %add3A_117 : i32
      %multiple_of3A_119 = tpu.assume_multiple %add3A_118, 16 : i32
      %get3A_120 = arith.index_cast %multiple_of3A_119 : i32 to index
      %get3A_121 = tpu.vector_load %arg6[%get3A_120] {strides = array<i32>} : memref<12544xi32, #tpu.memory_space<vmem>>, vector<16xi32>,
      %get3A_122 = arith.index_cast %multiple_of3A_119 : i32 to index
      %get3A_123 = tpu.vector_load %arg7[%get3A_122] {strides = array<i32>} : memref<12544xf32, #tpu.memory_space<vmem>>, vector<16xf32>,
      %sub3A_124 = vector.broadcast %mul3A_32 : i32 to vector<16xi32>
      %sub3A_125 = arith.subi %get3A_121, %sub3A_124 : vector<16xi32>
      %ge3A_126 = arith.constant 0 : i32
      %ge3A_127 = vector.broadcast %ge3A_126 : i32 to vector<16xi32>
      %ge3A_128 = arith.cmpi sge, %sub3A_125, %ge3A_127 : vector<16xi32>
      %lt3A_129 = arith.constant 22528 : i32
      %lt3A_130 = vector.broadcast %lt3A_129 : i32 to vector<16xi32>
      %lt3A_131 = arith.cmpi slt, %sub3A_125, %lt3A_130 : vector<16xi32>
      %and3A_132 = arith.andi %ge3A_128, %lt3A_131 : vector<16xi1>
      %max3A_133 = arith.constant 0 : i32
      %max3A_134 = vector.broadcast %max3A_133 : i32 to vector<16xi32>
      %max3A_135 = arith.maxsi %sub3A_125, %max3A_134 : vector<16xi32>
      %min3A_136 = arith.constant 22527 : i32
      %min3A_137 = vector.broadcast %min3A_136 : i32 to vector<16xi32>
      %min3A_138 = arith.minsi %max3A_135, %min3A_137 : vector<16xi32>
      tpu.vector_store_idx %arg5[%min3A_138], %get3A_123 masked %and3A_132 : memref<22528xf32, #tpu.memory_space<vmem>>[vector<16xi32>], vector<16xf32>, vector<16xi1>
      %mul3A_139 = arith.constant 128 : i32
      %mul3A_140 = arith.muli %scan3A_47, %mul3A_139 : i32
      %add3A_141 = arith.constant 64 : i32
      %add3A_142 = arith.addi %mul3A_140, %add3A_141 : i32
      %multiple_of3A_143 = tpu.assume_multiple %add3A_142, 16 : i32
      %get3A_144 = arith.index_cast %multiple_of3A_143 : i32 to index
      %get3A_145 = tpu.vector_load %arg6[%get3A_144] {strides = array<i32>} : memref<12544xi32, #tpu.memory_space<vmem>>, vector<16xi32>,
      %get3A_146 = arith.index_cast %multiple_of3A_143 : i32 to index
      %get3A_147 = tpu.vector_load %arg7[%get3A_146] {strides = array<i32>} : memref<12544xf32, #tpu.memory_space<vmem>>, vector<16xf32>,
      %sub3A_148 = vector.broadcast %mul3A_32 : i32 to vector<16xi32>
      %sub3A_149 = arith.subi %get3A_145, %sub3A_148 : vector<16xi32>
      %ge3A_150 = arith.constant 0 : i32
      %ge3A_151 = vector.broadcast %ge3A_150 : i32 to vector<16xi32>
      %ge3A_152 = arith.cmpi sge, %sub3A_149, %ge3A_151 : vector<16xi32>
      %lt3A_153 = arith.constant 22528 : i32
      %lt3A_154 = vector.broadcast %lt3A_153 : i32 to vector<16xi32>
      %lt3A_155 = arith.cmpi slt, %sub3A_149, %lt3A_154 : vector<16xi32>
      %and3A_156 = arith.andi %ge3A_152, %lt3A_155 : vector<16xi1>
      %max3A_157 = arith.constant 0 : i32
      %max3A_158 = vector.broadcast %max3A_157 : i32 to vector<16xi32>
      %max3A_159 = arith.maxsi %sub3A_149, %max3A_158 : vector<16xi32>
      %min3A_160 = arith.constant 22527 : i32
      %min3A_161 = vector.broadcast %min3A_160 : i32 to vector<16xi32>
      %min3A_162 = arith.minsi %max3A_159, %min3A_161 : vector<16xi32>
      tpu.vector_store_idx %arg5[%min3A_162], %get3A_147 masked %and3A_156 : memref<22528xf32, #tpu.memory_space<vmem>>[vector<16xi32>], vector<16xf32>, vector<16xi1>
      %mul3A_163 = arith.constant 128 : i32
      %mul3A_164 = arith.muli %scan3A_47, %mul3A_163 : i32
      %add3A_165 = arith.constant 80 : i32
      %add3A_166 = arith.addi %mul3A_164, %add3A_165 : i32
      %multiple_of3A_167 = tpu.assume_multiple %add3A_166, 16 : i32
      %get3A_168 = arith.index_cast %multiple_of3A_167 : i32 to index
      %get3A_169 = tpu.vector_load %arg6[%get3A_168] {strides = array<i32>} : memref<12544xi32, #tpu.memory_space<vmem>>, vector<16xi32>,
      %get3A_170 = arith.index_cast %multiple_of3A_167 : i32 to index
      %get3A_171 = tpu.vector_load %arg7[%get3A_170] {strides = array<i32>} : memref<12544xf32, #tpu.memory_space<vmem>>, vector<16xf32>,
      %sub3A_172 = vector.broadcast %mul3A_32 : i32 to vector<16xi32>
      %sub3A_173 = arith.subi %get3A_169, %sub3A_172 : vector<16xi32>
      %ge3A_174 = arith.constant 0 : i32
      %ge3A_175 = vector.broadcast %ge3A_174 : i32 to vector<16xi32>
      %ge3A_176 = arith.cmpi sge, %sub3A_173, %ge3A_175 : vector<16xi32>
      %lt3A_177 = arith.constant 22528 : i32
      %lt3A_178 = vector.broadcast %lt3A_177 : i32 to vector<16xi32>
      %lt3A_179 = arith.cmpi slt, %sub3A_173, %lt3A_178 : vector<16xi32>
      %and3A_180 = arith.andi %ge3A_176, %lt3A_179 : vector<16xi1>
      %max3A_181 = arith.constant 0 : i32
      %max3A_182 = vector.broadcast %max3A_181 : i32 to vector<16xi32>
      %max3A_183 = arith.maxsi %sub3A_173, %max3A_182 : vector<16xi32>
      %min3A_184 = arith.constant 22527 : i32
      %min3A_185 = vector.broadcast %min3A_184 : i32 to vector<16xi32>
      %min3A_186 = arith.minsi %max3A_183, %min3A_185 : vector<16xi32>
      tpu.vector_store_idx %arg5[%min3A_186], %get3A_171 masked %and3A_180 : memref<22528xf32, #tpu.memory_space<vmem>>[vector<16xi32>], vector<16xf32>, vector<16xi1>
      %mul3A_187 = arith.constant 128 : i32
      %mul3A_188 = arith.muli %scan3A_47, %mul3A_187 : i32
      %add3A_189 = arith.constant 96 : i32
      %add3A_190 = arith.addi %mul3A_188, %add3A_189 : i32
      %multiple_of3A_191 = tpu.assume_multiple %add3A_190, 16 : i32
      %get3A_192 = arith.index_cast %multiple_of3A_191 : i32 to index
      %get3A_193 = tpu.vector_load %arg6[%get3A_192] {strides = array<i32>} : memref<12544xi32, #tpu.memory_space<vmem>>, vector<16xi32>,
      %get3A_194 = arith.index_cast %multiple_of3A_191 : i32 to index
      %get3A_195 = tpu.vector_load %arg7[%get3A_194] {strides = array<i32>} : memref<12544xf32, #tpu.memory_space<vmem>>, vector<16xf32>,
      %sub3A_196 = vector.broadcast %mul3A_32 : i32 to vector<16xi32>
      %sub3A_197 = arith.subi %get3A_193, %sub3A_196 : vector<16xi32>
      %ge3A_198 = arith.constant 0 : i32
      %ge3A_199 = vector.broadcast %ge3A_198 : i32 to vector<16xi32>
      %ge3A_200 = arith.cmpi sge, %sub3A_197, %ge3A_199 : vector<16xi32>
      %lt3A_201 = arith.constant 22528 : i32
      %lt3A_202 = vector.broadcast %lt3A_201 : i32 to vector<16xi32>
      %lt3A_203 = arith.cmpi slt, %sub3A_197, %lt3A_202 : vector<16xi32>
      %and3A_204 = arith.andi %ge3A_200, %lt3A_203 : vector<16xi1>
      %max3A_205 = arith.constant 0 : i32
      %max3A_206 = vector.broadcast %max3A_205 : i32 to vector<16xi32>
      %max3A_207 = arith.maxsi %sub3A_197, %max3A_206 : vector<16xi32>
      %min3A_208 = arith.constant 22527 : i32
      %min3A_209 = vector.broadcast %min3A_208 : i32 to vector<16xi32>
      %min3A_210 = arith.minsi %max3A_207, %min3A_209 : vector<16xi32>
      tpu.vector_store_idx %arg5[%min3A_210], %get3A_195 masked %and3A_204 : memref<22528xf32, #tpu.memory_space<vmem>>[vector<16xi32>], vector<16xf32>, vector<16xi1>
      %mul3A_211 = arith.constant 128 : i32
      %mul3A_212 = arith.muli %scan3A_47, %mul3A_211 : i32
      %add3A_213 = arith.constant 112 : i32
      %add3A_214 = arith.addi %mul3A_212, %add3A_213 : i32
      %multiple_of3A_215 = tpu.assume_multiple %add3A_214, 16 : i32
      %get3A_216 = arith.index_cast %multiple_of3A_215 : i32 to index
      %get3A_217 = tpu.vector_load %arg6[%get3A_216] {strides = array<i32>} : memref<12544xi32, #tpu.memory_space<vmem>>, vector<16xi32>,
      %get3A_218 = arith.index_cast %multiple_of3A_215 : i32 to index
      %get3A_219 = tpu.vector_load %arg7[%get3A_218] {strides = array<i32>} : memref<12544xf32, #tpu.memory_space<vmem>>, vector<16xf32>,
      %sub3A_220 = vector.broadcast %mul3A_32 : i32 to vector<16xi32>
      %sub3A_221 = arith.subi %get3A_217, %sub3A_220 : vector<16xi32>
      %ge3A_222 = arith.constant 0 : i32
      %ge3A_223 = vector.broadcast %ge3A_222 : i32 to vector<16xi32>
      %ge3A_224 = arith.cmpi sge, %sub3A_221, %ge3A_223 : vector<16xi32>
      %lt3A_225 = arith.constant 22528 : i32
      %lt3A_226 = vector.broadcast %lt3A_225 : i32 to vector<16xi32>
      %lt3A_227 = arith.cmpi slt, %sub3A_221, %lt3A_226 : vector<16xi32>
      %and3A_228 = arith.andi %ge3A_224, %lt3A_227 : vector<16xi1>
      %max3A_229 = arith.constant 0 : i32
      %max3A_230 = vector.broadcast %max3A_229 : i32 to vector<16xi32>
      %max3A_231 = arith.maxsi %sub3A_221, %max3A_230 : vector<16xi32>
      %min3A_232 = arith.constant 22527 : i32
      %min3A_233 = vector.broadcast %min3A_232 : i32 to vector<16xi32>
      %min3A_234 = arith.minsi %max3A_231, %min3A_233 : vector<16xi32>
      tpu.vector_store_idx %arg5[%min3A_234], %get3A_219 masked %and3A_228 : memref<22528xf32, #tpu.memory_space<vmem>>[vector<16xi32>], vector<16xf32>, vector<16xi1>
    }
    %scan3A_46 = arith.constant 98 : i32
    "tpu.region"() ({
      %run_scoped3A = tpu.sem_alloc : memref<!tpu.dma_semaphore, #tpu.memory_space<semaphore_mem>>
      %dma_start3A = tpu.memref_slice %arg4[%select_n3A_30, %mul3A_32] : memref<4x180224xf32, #tpu.memory_space<hbm>> -> memref<1x22528xf32, #tpu.memory_space<hbm>>
      %dma_start3A_47 = tpu.memref_squeeze %dma_start3A : memref<1x22528xf32, #tpu.memory_space<hbm>> -> memref<22528xf32, #tpu.memory_space<hbm>>
      %dma_start3A_48 = tpu.memref_slice %arg4[%select_n3A_30, %mul3A_32] : memref<4x180224xf32, #tpu.memory_space<hbm>> -> memref<1x22528xf32, #tpu.memory_space<hbm>>
      %dma_start3A_49 = tpu.memref_squeeze %dma_start3A_48 : memref<1x22528xf32, #tpu.memory_space<hbm>> -> memref<22528xf32, #tpu.memory_space<hbm>>
      tpu.enqueue_dma source(%arg5 : memref<22528xf32, #tpu.memory_space<vmem>>) target(%dma_start3A_49 : memref<22528xf32, #tpu.memory_space<hbm>>) target_semaphore(%run_scoped3A : memref<!tpu.dma_semaphore, #tpu.memory_space<semaphore_mem>>)
      %dma_wait3A = tpu.memref_slice %arg4[%select_n3A_30, %mul3A_32] : memref<4x180224xf32, #tpu.memory_space<hbm>> -> memref<1x22528xf32, #tpu.memory_space<hbm>>
      %dma_wait3A_50 = tpu.memref_squeeze %dma_wait3A : memref<1x22528xf32, #tpu.memory_space<hbm>> -> memref<22528xf32, #tpu.memory_space<hbm>>
      %dma_wait3A_51 = tpu.memref_slice %arg4[%select_n3A_30, %mul3A_32] : memref<4x180224xf32, #tpu.memory_space<hbm>> -> memref<1x22528xf32, #tpu.memory_space<hbm>>
      %dma_wait3A_52 = tpu.memref_squeeze %dma_wait3A_51 : memref<1x22528xf32, #tpu.memory_space<hbm>> -> memref<22528xf32, #tpu.memory_space<hbm>>
      tpu.wait_dma2 semaphore(%run_scoped3A : memref<!tpu.dma_semaphore, #tpu.memory_space<semaphore_mem>>) src(%arg5 : memref<22528xf32, #tpu.memory_space<vmem>>) dst(%dma_wait3A_52 : memref<22528xf32, #tpu.memory_space<hbm>>)
      tpu.yield
    }) : () -> ()
    return
  }
}

module attributes {stable_mosaic.version = 14 : i64} {
  func.func @_extract_body(%arg0: i32, %arg1: memref<607x1x2560xf32, #tpu.memory_space<vmem>>, %arg2: memref<607x1x2560xf32, #tpu.memory_space<vmem>>, %arg3: memref<128x607xf32, #tpu.memory_space<vmem>>, %arg4: memref<1x2x2560xi32, #tpu.memory_space<vmem>>, %arg5: memref<1x2x2560xf32, #tpu.memory_space<vmem>>) attributes {dimension_semantics = [#tpu.dimension_semantics<arbitrary>], iteration_bounds = array<i64: 10>, scalar_prefetch = 0 : i64, scratch_operands = 0 : i64, tpu.core_type = #tpu.core_type<tc>, window_params = [{transform_indices = @transform_0, window_bounds = array<i64: 607, 1, 2560>}, {transform_indices = @transform_1, window_bounds = array<i64: 607, 1, 2560>}, {pipeline_mode = #tpu.pipeline_mode<synchronous>, transform_indices = @transform_2, window_bounds = array<i64: 128, 607>}, {transform_indices = @transform_3, window_bounds = array<i64: 1, 2, 2560>}, {transform_indices = @transform_4, window_bounds = array<i64: 1, 2, 2560>}]} {
    %get3A = arith.constant 0 : index
    %get3A_0 = arith.constant 0 : index
    %get3A_1 = arith.constant 0 : index
    %get3A_2 = vector.load %arg1[%get3A, %get3A_0, %get3A_1] : memref<607x1x2560xf32, #tpu.memory_space<vmem>>, vector<607x1x2560xf32>
    %get3A_3 = vector.shape_cast %get3A_2 : vector<607x1x2560xf32> to vector<607x2560xf32>
    %get3A_4 = arith.constant 0 : index
    %get3A_5 = arith.constant 0 : index
    %get3A_6 = vector.load %arg3[%get3A_4, %get3A_5] : memref<128x607xf32, #tpu.memory_space<vmem>>, vector<128x607xf32>
    %dot_general3A = arith.constant dense<0.000000e+00> : vector<128x2560xf32>
    %dot_general3A_7 = tpu.matmul %get3A_6, %get3A_3, %dot_general3A {dimension_numbers = #tpu.dot_dimension_numbers<[1], [0], [0], [1], [0, 0, 1, 1], [], []>, transpose_lhs_hint = false} : vector<128x607xf32>, vector<607x2560xf32>, vector<128x2560xf32> -> vector<128x2560xf32>
    %slice3A = vector.extract_strided_slice %dot_general3A_7 {offsets = [0, 0], sizes = [1, 2560], strides = [1, 1]} : vector<128x2560xf32> to vector<1x2560xf32>
    %slice3A_8 = vector.extract_strided_slice %dot_general3A_7 {offsets = [1, 0], sizes = [1, 2560], strides = [1, 1]} : vector<128x2560xf32> to vector<1x2560xf32>
    %slice3A_9 = vector.extract_strided_slice %dot_general3A_7 {offsets = [2, 0], sizes = [1, 2560], strides = [1, 1]} : vector<128x2560xf32> to vector<1x2560xf32>
    %slice3A_10 = vector.extract_strided_slice %dot_general3A_7 {offsets = [3, 0], sizes = [1, 2560], strides = [1, 1]} : vector<128x2560xf32> to vector<1x2560xf32>
    %slice3A_11 = vector.extract_strided_slice %dot_general3A_7 {offsets = [4, 0], sizes = [1, 2560], strides = [1, 1]} : vector<128x2560xf32> to vector<1x2560xf32>
    %mul3A = arith.mulf %slice3A, %slice3A_9 : vector<1x2560xf32>
    %mul3A_12 = arith.constant 3.200000e+01 : f32
    %mul3A_13 = vector.broadcast %mul3A_12 : f32 to vector<1x2560xf32>
    %mul3A_14 = arith.mulf %mul3A, %mul3A_13 : vector<1x2560xf32>
    %mul3A_15 = arith.mulf %slice3A_8, %slice3A_9 : vector<1x2560xf32>
    %add3A = arith.addf %mul3A_14, %mul3A_15 : vector<1x2560xf32>
    %mul3A_16 = arith.constant 3.200000e+01 : f32
    %mul3A_17 = vector.broadcast %mul3A_16 : f32 to vector<1x2560xf32>
    %mul3A_18 = arith.mulf %slice3A_10, %mul3A_17 : vector<1x2560xf32>
    %add3A_19 = arith.addf %mul3A_18, %slice3A_11 : vector<1x2560xf32>
    %mul3A_20 = arith.constant 3.460000e+02 : f32
    %mul3A_21 = vector.broadcast %mul3A_20 : f32 to vector<1x2560xf32>
    %mul3A_22 = arith.mulf %add3A_19, %mul3A_21 : vector<1x2560xf32>
    %add3A_23 = arith.addf %mul3A_22, %add3A : vector<1x2560xf32>
    %lt3A = arith.constant 0.000000e+00 : f32
    %lt3A_24 = vector.broadcast %lt3A : f32 to vector<1x2560xf32>
    %lt3A_25 = arith.cmpf olt, %slice3A_9, %lt3A_24 : vector<1x2560xf32>
    %jit3A = arith.constant 8.996000e+04 : f32
    %jit3A_26 = arith.constant 0.000000e+00 : f32
    %broadcast_in_dim3A = vector.broadcast %jit3A : f32 to vector<1x2560xf32>
    %broadcast_in_dim3A_27 = vector.broadcast %jit3A_26 : f32 to vector<1x2560xf32>
    %select_n3A = arith.select %lt3A_25, %broadcast_in_dim3A, %broadcast_in_dim3A_27 : vector<1x2560xi1>, vector<1x2560xf32>
    %add3A_28 = arith.addf %add3A_23, %select_n3A : vector<1x2560xf32>
    %mul3A_29 = arith.constant 5120 : i32
    %mul3A_30 = arith.muli %arg0, %mul3A_29 : i32
    %add3A_31 = arith.constant 0 : i32
    %add3A_32 = arith.addi %mul3A_30, %add3A_31 : i32
    %iota3A = tpu.iota {dimensions = array<i32: 1>} : vector<1x2560xi32>
    %add3A_33 = vector.broadcast %add3A_32 : i32 to vector<1x2560xi32>
    %add3A_34 = arith.addi %add3A_33, %iota3A : vector<1x2560xi32>
    %lt3A_35 = arith.constant 50000 : i32
    %lt3A_36 = vector.broadcast %lt3A_35 : i32 to vector<1x2560xi32>
    %lt3A_37 = arith.cmpi slt, %add3A_34, %lt3A_36 : vector<1x2560xi32>
    %round3A = math.roundeven %add3A_28 : vector<1x2560xf32>
    %jit3A_38 = arith.constant 1.802230e+05 : f32
    %broadcast_in_dim3A_39 = vector.broadcast %jit3A_38 : f32 to vector<1x2560xf32>
    %select_n3A_40 = arith.select %lt3A_37, %round3A, %broadcast_in_dim3A_39 : vector<1x2560xi1>, vector<1x2560xf32>
    %convert_element_type3A = arith.fptosi %select_n3A_40 : vector<1x2560xf32> to vector<1x2560xi32>
    %squeeze3A = vector.shape_cast %convert_element_type3A : vector<1x2560xi32> to vector<2560xi32>
    %swap3A = arith.constant 0 : index
    %swap3A_41 = arith.constant 0 : index
    %swap3A_42 = arith.constant 0 : index
    %swap3A_43 = vector.load %arg4[%swap3A, %swap3A_41, %swap3A_42] : memref<1x2x2560xi32, #tpu.memory_space<vmem>>, vector<1x1x2560xi32>
    %swap3A_44 = vector.shape_cast %swap3A_43 : vector<1x1x2560xi32> to vector<2560xi32>
    %swap3A_45 = vector.shape_cast %squeeze3A : vector<2560xi32> to vector<1x1x2560xi32>
    tpu.vector_store %arg4[%swap3A, %swap3A_41, %swap3A_42], %swap3A_45 {strides = array<i32>} : memref<1x2x2560xi32, #tpu.memory_space<vmem>>, vector<1x1x2560xi32>,
    %slice3A_46 = vector.extract_strided_slice %get3A_3 {offsets = [606, 0], sizes = [1, 2560], strides = [1, 1]} : vector<607x2560xf32> to vector<1x2560xf32>
    %jit3A_47 = arith.constant 0.000000e+00 : f32
    %broadcast_in_dim3A_48 = vector.broadcast %jit3A_47 : f32 to vector<1x2560xf32>
    %select_n3A_49 = arith.select %lt3A_37, %slice3A_46, %broadcast_in_dim3A_48 : vector<1x2560xi1>, vector<1x2560xf32>
    %squeeze3A_50 = vector.shape_cast %select_n3A_49 : vector<1x2560xf32> to vector<2560xf32>
    %swap3A_51 = arith.constant 0 : index
    %swap3A_52 = arith.constant 0 : index
    %swap3A_53 = arith.constant 0 : index
    %swap3A_54 = vector.load %arg5[%swap3A_51, %swap3A_52, %swap3A_53] : memref<1x2x2560xf32, #tpu.memory_space<vmem>>, vector<1x1x2560xf32>
    %swap3A_55 = vector.shape_cast %swap3A_54 : vector<1x1x2560xf32> to vector<2560xf32>
    %swap3A_56 = vector.shape_cast %squeeze3A_50 : vector<2560xf32> to vector<1x1x2560xf32>
    tpu.vector_store %arg5[%swap3A_51, %swap3A_52, %swap3A_53], %swap3A_56 {strides = array<i32>} : memref<1x2x2560xf32, #tpu.memory_space<vmem>>, vector<1x1x2560xf32>,
    %get3A_57 = arith.constant 0 : index
    %get3A_58 = arith.constant 0 : index
    %get3A_59 = arith.constant 0 : index
    %get3A_60 = vector.load %arg2[%get3A_57, %get3A_58, %get3A_59] : memref<607x1x2560xf32, #tpu.memory_space<vmem>>, vector<607x1x2560xf32>
    %get3A_61 = vector.shape_cast %get3A_60 : vector<607x1x2560xf32> to vector<607x2560xf32>
    %get3A_62 = arith.constant 0 : index
    %get3A_63 = arith.constant 0 : index
    %get3A_64 = vector.load %arg3[%get3A_62, %get3A_63] : memref<128x607xf32, #tpu.memory_space<vmem>>, vector<128x607xf32>
    %dot_general3A_65 = arith.constant dense<0.000000e+00> : vector<128x2560xf32>
    %dot_general3A_66 = tpu.matmul %get3A_64, %get3A_61, %dot_general3A_65 {dimension_numbers = #tpu.dot_dimension_numbers<[1], [0], [0], [1], [0, 0, 1, 1], [], []>, transpose_lhs_hint = false} : vector<128x607xf32>, vector<607x2560xf32>, vector<128x2560xf32> -> vector<128x2560xf32>
    %slice3A_67 = vector.extract_strided_slice %dot_general3A_66 {offsets = [0, 0], sizes = [1, 2560], strides = [1, 1]} : vector<128x2560xf32> to vector<1x2560xf32>
    %slice3A_68 = vector.extract_strided_slice %dot_general3A_66 {offsets = [1, 0], sizes = [1, 2560], strides = [1, 1]} : vector<128x2560xf32> to vector<1x2560xf32>
    %slice3A_69 = vector.extract_strided_slice %dot_general3A_66 {offsets = [2, 0], sizes = [1, 2560], strides = [1, 1]} : vector<128x2560xf32> to vector<1x2560xf32>
    %slice3A_70 = vector.extract_strided_slice %dot_general3A_66 {offsets = [3, 0], sizes = [1, 2560], strides = [1, 1]} : vector<128x2560xf32> to vector<1x2560xf32>
    %slice3A_71 = vector.extract_strided_slice %dot_general3A_66 {offsets = [4, 0], sizes = [1, 2560], strides = [1, 1]} : vector<128x2560xf32> to vector<1x2560xf32>
    %mul3A_72 = arith.mulf %slice3A_67, %slice3A_69 : vector<1x2560xf32>
    %mul3A_73 = arith.constant 3.200000e+01 : f32
    %mul3A_74 = vector.broadcast %mul3A_73 : f32 to vector<1x2560xf32>
    %mul3A_75 = arith.mulf %mul3A_72, %mul3A_74 : vector<1x2560xf32>
    %mul3A_76 = arith.mulf %slice3A_68, %slice3A_69 : vector<1x2560xf32>
    %add3A_77 = arith.addf %mul3A_75, %mul3A_76 : vector<1x2560xf32>
    %mul3A_78 = arith.constant 3.200000e+01 : f32
    %mul3A_79 = vector.broadcast %mul3A_78 : f32 to vector<1x2560xf32>
    %mul3A_80 = arith.mulf %slice3A_70, %mul3A_79 : vector<1x2560xf32>
    %add3A_81 = arith.addf %mul3A_80, %slice3A_71 : vector<1x2560xf32>
    %mul3A_82 = arith.constant 3.460000e+02 : f32
    %mul3A_83 = vector.broadcast %mul3A_82 : f32 to vector<1x2560xf32>
    %mul3A_84 = arith.mulf %add3A_81, %mul3A_83 : vector<1x2560xf32>
    %add3A_85 = arith.addf %mul3A_84, %add3A_77 : vector<1x2560xf32>
    %lt3A_86 = arith.constant 0.000000e+00 : f32
    %lt3A_87 = vector.broadcast %lt3A_86 : f32 to vector<1x2560xf32>
    %lt3A_88 = arith.cmpf olt, %slice3A_69, %lt3A_87 : vector<1x2560xf32>
    %jit3A_89 = arith.constant 8.996000e+04 : f32
    %jit3A_90 = arith.constant 0.000000e+00 : f32
    %broadcast_in_dim3A_91 = vector.broadcast %jit3A_89 : f32 to vector<1x2560xf32>
    %broadcast_in_dim3A_92 = vector.broadcast %jit3A_90 : f32 to vector<1x2560xf32>
    %select_n3A_93 = arith.select %lt3A_88, %broadcast_in_dim3A_91, %broadcast_in_dim3A_92 : vector<1x2560xi1>, vector<1x2560xf32>
    %add3A_94 = arith.addf %add3A_85, %select_n3A_93 : vector<1x2560xf32>
    %mul3A_95 = arith.constant 5120 : i32
    %mul3A_96 = arith.muli %arg0, %mul3A_95 : i32
    %add3A_97 = arith.constant 2560 : i32
    %add3A_98 = arith.addi %mul3A_96, %add3A_97 : i32
    %iota3A_99 = tpu.iota {dimensions = array<i32: 1>} : vector<1x2560xi32>
    %add3A_100 = vector.broadcast %add3A_98 : i32 to vector<1x2560xi32>
    %add3A_101 = arith.addi %add3A_100, %iota3A_99 : vector<1x2560xi32>
    %lt3A_102 = arith.constant 50000 : i32
    %lt3A_103 = vector.broadcast %lt3A_102 : i32 to vector<1x2560xi32>
    %lt3A_104 = arith.cmpi slt, %add3A_101, %lt3A_103 : vector<1x2560xi32>
    %round3A_105 = math.roundeven %add3A_94 : vector<1x2560xf32>
    %jit3A_106 = arith.constant 1.802230e+05 : f32
    %broadcast_in_dim3A_107 = vector.broadcast %jit3A_106 : f32 to vector<1x2560xf32>
    %select_n3A_108 = arith.select %lt3A_104, %round3A_105, %broadcast_in_dim3A_107 : vector<1x2560xi1>, vector<1x2560xf32>
    %convert_element_type3A_109 = arith.fptosi %select_n3A_108 : vector<1x2560xf32> to vector<1x2560xi32>
    %squeeze3A_110 = vector.shape_cast %convert_element_type3A_109 : vector<1x2560xi32> to vector<2560xi32>
    %swap3A_111 = arith.constant 0 : index
    %swap3A_112 = arith.constant 1 : index
    %swap3A_113 = arith.constant 0 : index
    %swap3A_114 = vector.load %arg4[%swap3A_111, %swap3A_112, %swap3A_113] : memref<1x2x2560xi32, #tpu.memory_space<vmem>>, vector<1x1x2560xi32>
    %swap3A_115 = vector.shape_cast %swap3A_114 : vector<1x1x2560xi32> to vector<2560xi32>
    %swap3A_116 = vector.shape_cast %squeeze3A_110 : vector<2560xi32> to vector<1x1x2560xi32>
    tpu.vector_store %arg4[%swap3A_111, %swap3A_112, %swap3A_113], %swap3A_116 {strides = array<i32>} : memref<1x2x2560xi32, #tpu.memory_space<vmem>>, vector<1x1x2560xi32>,
    %slice3A_117 = vector.extract_strided_slice %get3A_61 {offsets = [606, 0], sizes = [1, 2560], strides = [1, 1]} : vector<607x2560xf32> to vector<1x2560xf32>
    %jit3A_118 = arith.constant 0.000000e+00 : f32
    %broadcast_in_dim3A_119 = vector.broadcast %jit3A_118 : f32 to vector<1x2560xf32>
    %select_n3A_120 = arith.select %lt3A_104, %slice3A_117, %broadcast_in_dim3A_119 : vector<1x2560xi1>, vector<1x2560xf32>
    %squeeze3A_121 = vector.shape_cast %select_n3A_120 : vector<1x2560xf32> to vector<2560xf32>
    %swap3A_122 = arith.constant 0 : index
    %swap3A_123 = arith.constant 1 : index
    %swap3A_124 = arith.constant 0 : index
    %swap3A_125 = vector.load %arg5[%swap3A_122, %swap3A_123, %swap3A_124] : memref<1x2x2560xf32, #tpu.memory_space<vmem>>, vector<1x1x2560xf32>
    %swap3A_126 = vector.shape_cast %swap3A_125 : vector<1x1x2560xf32> to vector<2560xf32>
    %swap3A_127 = vector.shape_cast %squeeze3A_121 : vector<2560xf32> to vector<1x1x2560xf32>
    tpu.vector_store %arg5[%swap3A_122, %swap3A_123, %swap3A_124], %swap3A_127 {strides = array<i32>} : memref<1x2x2560xf32, #tpu.memory_space<vmem>>, vector<1x1x2560xf32>,
    return
  }
  func.func @transform_0(%arg0: i32) -> (i32, i32, i32) {
    %mul3A = arith.constant 2 : i32
    %mul3A_0 = arith.muli %mul3A, %arg0 : i32
    %add3A = arith.constant 0 : i32
    %add3A_1 = arith.addi %mul3A_0, %add3A : i32
    %c0_i32 = arith.constant 0 : i32
    %c0_i32_2 = arith.constant 0 : i32
    %c0_i32_3 = arith.constant 0 : i32
    return %c0_i32, %c0_i32_2, %add3A_1 : i32, i32, i32
  }
  func.func @transform_1(%arg0: i32) -> (i32, i32, i32) {
    %mul3A = arith.constant 2 : i32
    %mul3A_0 = arith.muli %mul3A, %arg0 : i32
    %add3A = arith.constant 1 : i32
    %add3A_1 = arith.addi %mul3A_0, %add3A : i32
    %c0_i32 = arith.constant 0 : i32
    %c0_i32_2 = arith.constant 0 : i32
    %c0_i32_3 = arith.constant 0 : i32
    return %c0_i32, %c0_i32_2, %add3A_1 : i32, i32, i32
  }
  func.func @transform_2(%arg0: i32) -> (i32, i32) {
    %c0_i32 = arith.constant 0 : i32
    %c0_i32_0 = arith.constant 0 : i32
    %c0_i32_1 = arith.constant 0 : i32
    return %c0_i32, %c0_i32_0 : i32, i32
  }
  func.func @transform_3(%arg0: i32) -> (i32, i32, i32) {
    %c0_i32 = arith.constant 0 : i32
    %c0_i32_0 = arith.constant 0 : i32
    %c0_i32_1 = arith.constant 0 : i32
    return %arg0, %c0_i32, %c0_i32_0 : i32, i32, i32
  }
  func.func @transform_4(%arg0: i32) -> (i32, i32, i32) {
    %c0_i32 = arith.constant 0 : i32
    %c0_i32_0 = arith.constant 0 : i32
    %c0_i32_1 = arith.constant 0 : i32
    return %arg0, %c0_i32, %c0_i32_0 : i32, i32, i32
  }
}

module attributes {stable_mosaic.version = 14 : i64} {
  func.func @_cumsum_body(%arg0: memref<50x1024xf32, #tpu.memory_space<vmem>>, %arg1: memref<50x1024xf32, #tpu.memory_space<vmem>>) attributes {dimension_semantics = [], scalar_prefetch = 0 : i64, scratch_operands = 0 : i64, tpu.core_type = #tpu.core_type<tc>} {
    %get3A = arith.constant 0 : index
    %get3A_0 = arith.constant 0 : index
    %get3A_1 = vector.load %arg0[%get3A, %get3A_0] : memref<50x1024xf32, #tpu.memory_space<vmem>>, vector<50x1024xf32>
    %iota3A = tpu.iota {dimensions = array<i32: 0>} : vector<1024x1024xi32>
    %iota3A_2 = tpu.iota {dimensions = array<i32: 1>} : vector<1024x1024xi32>
    %le3A = arith.cmpi sle, %iota3A, %iota3A_2 : vector<1024x1024xi32>
    %convert_element_type3A = arith.extui %le3A : vector<1024x1024xi1> to vector<1024x1024xi32>
    %convert_element_type3A_3 = arith.sitofp %convert_element_type3A : vector<1024x1024xi32> to vector<1024x1024xf32>
    %dot_general3A = arith.constant dense<0.000000e+00> : vector<50x1024xf32>
    %dot_general3A_4 = tpu.matmul %get3A_1, %convert_element_type3A_3, %dot_general3A {dimension_numbers = #tpu.dot_dimension_numbers<[1], [0], [0], [1], [0, 0, 1, 1], [], []>, precision = #tpu.contract_precision<fp32>, transpose_lhs_hint = false} : vector<50x1024xf32>, vector<1024x1024xf32>, vector<50x1024xf32> -> vector<50x1024xf32>
    %slice3A = vector.extract_strided_slice %dot_general3A_4 {offsets = [0, 1023], sizes = [50, 1], strides = [1, 1]} : vector<50x1024xf32> to vector<50x1xf32>
    %iota3A_5 = tpu.iota {dimensions = array<i32: 0>} : vector<50x50xi32>
    %iota3A_6 = tpu.iota {dimensions = array<i32: 1>} : vector<50x50xi32>
    %lt3A = arith.cmpi slt, %iota3A_6, %iota3A_5 : vector<50x50xi32>
    %convert_element_type3A_7 = arith.extui %lt3A : vector<50x50xi1> to vector<50x50xi32>
    %convert_element_type3A_8 = arith.sitofp %convert_element_type3A_7 : vector<50x50xi32> to vector<50x50xf32>
    %dot_general3A_9 = arith.constant dense<0.000000e+00> : vector<50x1xf32>
    %dot_general3A_10 = tpu.matmul %convert_element_type3A_8, %slice3A, %dot_general3A_9 {dimension_numbers = #tpu.dot_dimension_numbers<[1], [0], [0], [1], [0, 0, 1, 1], [], []>, precision = #tpu.contract_precision<fp32>, transpose_lhs_hint = false} : vector<50x50xf32>, vector<50x1xf32>, vector<50x1xf32> -> vector<50x1xf32>
    %add3A = vector.broadcast %dot_general3A_10 : vector<50x1xf32> to vector<50x1024xf32>
    %add3A_11 = arith.addf %dot_general3A_4, %add3A : vector<50x1024xf32>
    %swap3A = arith.constant 0 : index
    %swap3A_12 = arith.constant 0 : index
    %swap3A_13 = vector.load %arg1[%swap3A, %swap3A_12] : memref<50x1024xf32, #tpu.memory_space<vmem>>, vector<50x1024xf32>
    tpu.vector_store %arg1[%swap3A, %swap3A_12], %add3A_11 {strides = array<i32>} : memref<50x1024xf32, #tpu.memory_space<vmem>>, vector<50x1024xf32>,
    return
  }
}

module attributes {stable_mosaic.version = 14 : i64} {
  func.func @_finish_body(%arg0: memref<4x260x346xf32, #tpu.memory_space<vmem>>, %arg1: memref<4x260x346xf32, #tpu.memory_space<vmem>>, %arg2: memref<3x260x346xf32, #tpu.memory_space<vmem>>) attributes {dimension_semantics = [], scalar_prefetch = 0 : i64, scratch_operands = 0 : i64, tpu.core_type = #tpu.core_type<tc>} {
    %get3A = arith.constant 0 : index
    %get3A_0 = arith.constant 0 : index
    %get3A_1 = arith.constant 0 : index
    %get3A_2 = vector.load %arg0[%get3A, %get3A_0, %get3A_1] : memref<4x260x346xf32, #tpu.memory_space<vmem>>, vector<4x260x346xf32>
    %reduce_max3A = arith.constant dense<0xFF800000> : vector<260x346xf32>
    %reduce_max3A_3 = vector.multi_reduction <maximumf>, %get3A_2, %reduce_max3A [0] : vector<4x260x346xf32> to vector<260x346xf32>
    %get3A_4 = arith.constant 0 : index
    %get3A_5 = arith.constant 0 : index
    %get3A_6 = arith.constant 0 : index
    %get3A_7 = vector.load %arg1[%get3A_4, %get3A_5, %get3A_6] : memref<4x260x346xf32, #tpu.memory_space<vmem>>, vector<4x260x346xf32>
    %reduce_max3A_8 = arith.constant dense<0xFF800000> : vector<260x346xf32>
    %reduce_max3A_9 = vector.multi_reduction <maximumf>, %get3A_7, %reduce_max3A_8 [0] : vector<4x260x346xf32> to vector<260x346xf32>
    %lt3A = arith.constant 0.000000e+00 : f32
    %lt3A_10 = vector.broadcast %lt3A : f32 to vector<260x346xf32>
    %lt3A_11 = arith.cmpf olt, %reduce_max3A_3, %lt3A_10 : vector<260x346xf32>
    %mul3A = arith.constant -1.000000e-01 : f32
    %mul3A_12 = vector.broadcast %mul3A : f32 to vector<260x346xf32>
    %mul3A_13 = arith.mulf %mul3A_12, %reduce_max3A_3 : vector<260x346xf32>
    %exp3A = math.exp %mul3A_13 : vector<260x346xf32>
    %jit3A = arith.constant 0.427450985 : f32
    %broadcast_in_dim3A = vector.broadcast %jit3A : f32 to vector<260x346xf32>
    %select_n3A = arith.select %lt3A_11, %broadcast_in_dim3A, %exp3A : vector<260x346xi1>, vector<260x346xf32>
    %swap3A = arith.constant 0 : index
    %swap3A_14 = arith.constant 0 : index
    %swap3A_15 = arith.constant 0 : index
    %swap3A_16 = vector.load %arg2[%swap3A, %swap3A_14, %swap3A_15] : memref<3x260x346xf32, #tpu.memory_space<vmem>>, vector<1x260x346xf32>
    %swap3A_17 = vector.shape_cast %swap3A_16 : vector<1x260x346xf32> to vector<260x346xf32>
    %swap3A_18 = vector.shape_cast %select_n3A : vector<260x346xf32> to vector<1x260x346xf32>
    tpu.vector_store %arg2[%swap3A, %swap3A_14, %swap3A_15], %swap3A_18 {strides = array<i32>} : memref<3x260x346xf32, #tpu.memory_space<vmem>>, vector<1x260x346xf32>,
    %lt3A_19 = arith.constant 0.000000e+00 : f32
    %lt3A_20 = vector.broadcast %lt3A_19 : f32 to vector<260x346xf32>
    %lt3A_21 = arith.cmpf olt, %reduce_max3A_3, %lt3A_20 : vector<260x346xf32>
    %lt3A_22 = arith.constant 0.000000e+00 : f32
    %lt3A_23 = vector.broadcast %lt3A_22 : f32 to vector<260x346xf32>
    %lt3A_24 = arith.cmpf olt, %reduce_max3A_9, %lt3A_23 : vector<260x346xf32>
    %and3A = arith.andi %lt3A_21, %lt3A_24 : vector<260x346xi1>
    %jit3A_25 = arith.constant 1.000000e+00 : f32
    %jit3A_26 = arith.constant 0.000000e+00 : f32
    %broadcast_in_dim3A_27 = vector.broadcast %jit3A_25 : f32 to vector<260x346xf32>
    %broadcast_in_dim3A_28 = vector.broadcast %jit3A_26 : f32 to vector<260x346xf32>
    %select_n3A_29 = arith.select %and3A, %broadcast_in_dim3A_27, %broadcast_in_dim3A_28 : vector<260x346xi1>, vector<260x346xf32>
    %swap3A_30 = arith.constant 1 : index
    %swap3A_31 = arith.constant 0 : index
    %swap3A_32 = arith.constant 0 : index
    %swap3A_33 = vector.load %arg2[%swap3A_30, %swap3A_31, %swap3A_32] : memref<3x260x346xf32, #tpu.memory_space<vmem>>, vector<1x260x346xf32>
    %swap3A_34 = vector.shape_cast %swap3A_33 : vector<1x260x346xf32> to vector<260x346xf32>
    %swap3A_35 = vector.shape_cast %select_n3A_29 : vector<260x346xf32> to vector<1x260x346xf32>
    tpu.vector_store %arg2[%swap3A_30, %swap3A_31, %swap3A_32], %swap3A_35 {strides = array<i32>} : memref<3x260x346xf32, #tpu.memory_space<vmem>>, vector<1x260x346xf32>,
    %lt3A_36 = arith.constant 0.000000e+00 : f32
    %lt3A_37 = vector.broadcast %lt3A_36 : f32 to vector<260x346xf32>
    %lt3A_38 = arith.cmpf olt, %reduce_max3A_9, %lt3A_37 : vector<260x346xf32>
    %mul3A_39 = arith.constant -1.000000e-01 : f32
    %mul3A_40 = vector.broadcast %mul3A_39 : f32 to vector<260x346xf32>
    %mul3A_41 = arith.mulf %mul3A_40, %reduce_max3A_9 : vector<260x346xf32>
    %exp3A_42 = math.exp %mul3A_41 : vector<260x346xf32>
    %jit3A_43 = arith.constant 0.41568628 : f32
    %broadcast_in_dim3A_44 = vector.broadcast %jit3A_43 : f32 to vector<260x346xf32>
    %select_n3A_45 = arith.select %lt3A_38, %broadcast_in_dim3A_44, %exp3A_42 : vector<260x346xi1>, vector<260x346xf32>
    %swap3A_46 = arith.constant 2 : index
    %swap3A_47 = arith.constant 0 : index
    %swap3A_48 = arith.constant 0 : index
    %swap3A_49 = vector.load %arg2[%swap3A_46, %swap3A_47, %swap3A_48] : memref<3x260x346xf32, #tpu.memory_space<vmem>>, vector<1x260x346xf32>
    %swap3A_50 = vector.shape_cast %swap3A_49 : vector<1x260x346xf32> to vector<260x346xf32>
    %swap3A_51 = vector.shape_cast %select_n3A_45 : vector<260x346xf32> to vector<1x260x346xf32>
    tpu.vector_store %arg2[%swap3A_46, %swap3A_47, %swap3A_48], %swap3A_51 {strides = array<i32>} : memref<3x260x346xf32, #tpu.memory_space<vmem>>, vector<1x260x346xf32>,
    return
  }
}

</mosaic_0001>

<sc_bundles>
// kernel: kernel.6.cloned.1.call-start
scs
__scs_entry_jumppad:
0x0: {  	(pc) =	sbr.rel $0x88, $3  }
0x1: {  	(tag) =	ssettag $0x0;
	lr =	simm.s32 $0x1  }
0x2: {  	[smem:$0x3FA0] =	sst lr;
	_ =	strace $0xD0000000  }
0x3: {  	_ = 	snop  }
0x4: {  	_ = 	snop  }
0x5: {  	_ = 	snop  }
0x6: {  	_ = 	snop  }
0x7: {  	_ = 	snop  }
__scs_overlays_trampoline_lowered:
0x8: {  	[smem:$0x3FAF] =	sst s0  }
0x9: {  	[smem:$0x3FB0] =	sst s1  }
0xa: {  	[smem:$0x3FB1] =	sst s2  }
0xb: {  	[smem:$0x3FB2] =	sst s3  }
0xc: {  	[smem:$0x3FB3] =	sst s4  }
0xd: {  	[smem:$0x3FB4] =	sst s5  }
0xe: {  	[smem:$0x3FB5] =	sst s6  }
0xf: {  	[smem:$0x3FB6] =	sst s7  }
0x10: {  	[smem:$0x3FB7] =	sst s8  }
0x11: {  	[smem:$0x3FB8] =	sst s9;
	s0 =	simm.s32 @!p0 $0x0  }
0x12: {  	s1 =	sld [smem:$0x3F9E];
	s0 =	simm.s32 @p0 $0x1  }
0x13: {  	[smem:$0x3FB9] =	sst s0;
	s0 =	simm.s32 @!p1 $0x0  }
0x14: {  	s2 =	sld [smem:$0x3F9D];
	s0 =	simm.s32 @p1 $0x1  }
0x15: {  	[smem:$0x3FBA] =	sst s0;
	s0 =	simm.s32 @!p2 $0x0  }
0x16: {  	s3 =	sld [smem:$0x3FDB];
	s0 =	simm.s32 @p2 $0x1  }
0x17: {  	s4 =	simm.s32 $0x1BF5;
	[smem:$0x3FBC] =	sst s0  }
0x18: {  	s0 =	sld [smem:$0x3F9F];
	_ =	swait.ge [sflag:s4], $0x0  }
0x19: {  	s7 =	sld [smem:$0x3FA0]  }
0x1a: {  	s8 =	sadd.s32 $0xFFFFE003, lr  }
0x1b: {  	s9 =	sadd.s32 $0xFFFFFEF7, lr;
	s5 =	simm.s32 $0xFFFFFFFF;
	p2 =	slt.u32 s8, $0xFFFFF086  }
0x1c: {  	p1 =	slt.u32 s9, $0xF7A;
	s5 =	simm.s32 @!p2 $0x0  }
0x1d: {  	s5 =	simm.s32 @p1 $0x1;
	p0 =	seq.s32 s7, s2  }
0x1e: {  	s7 =	smul.u32 @!p0 $0xF7A, s2;
	p2 =	seq.s32 @!p0 s5, $0x0  }
0x1f: {  	s9 =	smul.u32 $0xF7A, s1;
	s8 =	simm.s32 @!p0 $0x1BF5;
	p2 =	por !p2, p0  }
0x20: {  	[sflag:s8] =	ssyncset.s32 @!p0 $0xFFFFF086;
	s6 =	sadd.s32 @!p0 s3, s7;
	s7 =	simm.s32 @!p0 $0x108  }
0x21: {  	s3 =	sadd.s32 s3, s9;
	s6 =	sadd.s32 @!p0 $0x88, s6;
	s7 =	simm.s32 @p2 $0x1082  }
0x22: {  	[simem:s7], [sflag:s8] =	dma.local @!p0 [hbm:s6], $0xF7A  }
0x23: {  	s9 =	sor.u32 $0xD0000000, s2;
	s6 =	simm.s32 $0x108;
	_ =	swait.ge @!p0 [sflag:s8], $0x0  }
0x24: {  	s3 =	sadd.s32 $0x88, s3;
	s6 =	simm.s32 @!p1 $0x1082;
	[sflag:s4] =	ssyncset.s32 $0xFFFFF086  }
0x25: {  	[simem:s6], [sflag:s4] =	dma.local [hbm:s3], $0xF7A  }
0x26: {  	[smem:$0x3FA0] =	sst s1;
	(tag) =	ssettag s2;
	_ =	strace s9  }
0x27: {  	s1 =	sld [smem:$0x3FB0]  }
0x28: {  	s2 =	sld [smem:$0x3FB1]  }
0x29: {  	s4 =	sld [smem:$0x3FB3]  }
0x2a: {  	p0 =	seq.s32 s5, $0x0;
	s5 =	sld [smem:$0x3FB4]  }
0x2b: {  	s6 =	sld [smem:$0x3FB5]  }
0x2c: {  	s7 =	sld [smem:$0x3FB6]  }
0x2d: {  	s3 =	simm.s32 $0x108;
	s8 =	sld [smem:$0x3FB7]  }
0x2e: {  	s3 =	simm.s32 @!p0 $0x1082;
	s9 =	sld [smem:$0x3FB8]  }
0x2f: {  	lr =	sadd.s32 s0, s3;
	s0 =	sld [smem:$0x3FAF]  }
0x30: {  	s3 =	sld [smem:$0x3FB2]  }
0x31: {  	[smem:$0x3FBB] =	sst s10  }
0x32: {  	s10 =	sld [smem:$0x3FB9];
	_ =	sdelay $0x3  }
0x33: {  	p0 =	seq.s32 s10, $0x1;
	s10 =	sld [smem:$0x3FBB];
	_ =	sdelay $0x3  }
0x34: {  	[smem:$0x3FBB] =	sst s10  }
0x35: {  	s10 =	sld [smem:$0x3FBA];
	_ =	sdelay $0x3  }
0x36: {  	p1 =	seq.s32 s10, $0x1;
	s10 =	sld [smem:$0x3FBB];
	_ =	sdelay $0x3  }
0x37: {  	[smem:$0x3FBB] =	sst s10  }
0x38: {  	s10 =	sld [smem:$0x3FBC]  }
0x39: {  	_ = 	snop;
	(pc) =	sbr.ind lr, $3  }
0x3a: {  	_ = 	snop  }
0x3b: {  	_ = 	snop  }
0x3c: {  	p2 =	seq.s32 s10, $0x1;
	s10 =	sld [smem:$0x3FBB]  }
0x3d: {  	_ =	shalt  }
0x3e: {  	_ =	shalt  }
0x3f: {  	_ =	shalt  }
0x40: {  	_ =	shalt  }
0x41: {  	_ =	shalt  }
0x42: {  	_ =	shalt  }
0x43: {  	_ =	shalt  }
0x44: {  	_ =	shalt  }
0x45: {  	_ =	shalt  }
0x46: {  	_ =	shalt  }
0x47: {  	_ =	shalt  }
0x48: {  	_ =	shalt  }
0x49: {  	_ =	shalt  }
0x4a: {  	_ =	shalt  }
0x4b: {  	_ =	shalt  }
0x4c: {  	_ =	shalt  }
0x4d: {  	_ =	shalt  }
0x4e: {  	_ =	shalt  }
0x4f: {  	_ =	shalt  }
0x50: {  	_ =	shalt  }
0x51: {  	_ =	shalt  }
0x52: {  	_ =	shalt  }
0x53: {  	_ =	shalt  }
0x54: {  	_ =	shalt  }
0x55: {  	_ =	shalt  }
0x56: {  	_ =	shalt  }
0x57: {  	_ =	shalt  }
0x58: {  	_ =	shalt  }
0x59: {  	_ =	shalt  }
0x5a: {  	_ =	shalt  }
0x5b: {  	_ =	shalt  }
0x5c: {  	_ =	shalt  }
0x5d: {  	_ =	shalt  }
0x5e: {  	_ =	shalt  }
0x5f: {  	_ =	shalt  }
0x60: {  	_ =	shalt  }
0x61: {  	_ =	shalt  }
0x62: {  	_ =	shalt  }
0x63: {  	_ =	shalt  }
0x64: {  	_ =	shalt  }
0x65: {  	_ =	shalt  }
0x66: {  	_ =	shalt  }
0x67: {  	_ =	shalt  }
0x68: {  	_ =	shalt  }
0x69: {  	_ =	shalt  }
0x6a: {  	_ =	shalt  }
0x6b: {  	_ =	shalt  }
0x6c: {  	_ =	shalt  }
0x6d: {  	_ =	shalt  }
0x6e: {  	_ =	shalt  }
0x6f: {  	_ =	shalt  }
0x70: {  	_ =	shalt  }
0x71: {  	_ =	shalt  }
0x72: {  	_ =	shalt  }
0x73: {  	_ =	shalt  }
0x74: {  	_ =	shalt  }
0x75: {  	_ =	shalt  }
0x76: {  	_ =	shalt  }
0x77: {  	_ =	shalt  }
0x78: {  	_ =	shalt  }
0x79: {  	_ =	shalt  }
0x7a: {  	_ =	shalt  }
0x7b: {  	_ =	shalt  }
0x7c: {  	_ =	shalt  }
0x7d: {  	_ =	shalt  }
0x7e: {  	_ =	shalt  }
0x7f: {  	_ =	shalt  }
0x80: {  	_ =	shalt  }
0x81: {  	_ =	shalt  }
0x82: {  	_ =	shalt  }
0x83: {  	_ =	shalt  }
0x84: {  	_ =	shalt  }
0x85: {  	_ =	shalt  }
0x86: {  	_ =	shalt  }
0x87: {  	_ =	shalt  }
.Lfunc_end0:
.L_simem_size_0:
called_computation_lowered:
.L_overlay_start_0:
0x88: {  	s2 =	sld [smem:$0x3FD9]  }
0x89: {  	s3 =	sld [smem:$0x3FFE];
	_ =	sdelay $0x1  }
0x8a: {  	s1 =	srdreg.scid  }
0x8b: {  	s0 =	sand.u32 $0x1, s1  }
0x8c: {  	s17 =	sshll.u32 s0, $0xA;
	s2 =	sadd.s32 s3, s2  }
0x8d: {  	s2 =	sadd.s32 s2, s17  }
0x8e: {  	[smem:$0x3FC7] =	sst s2  }
0x8f: {  	_ = 	snop  }
0x90: {  	s2 =	sld [smem:$0x3FD0];
	(tm) =	ssettm $0x1  }
0x91: {  	s18 =	sld [smem:$0x3FFB];
	_ =	sdelay $0x3  }
0x92: {  	_ =	strace s18  }
0x93: {  	s3 =	sld [smem:$0x3FFC];
	_ =	sdelay $0x3  }
0x94: {  	_ =	strace s3  }
0x95: {  	s3 =	sld [smem:$0x3FFD];
	_ =	sdelay $0x3  }
0x96: {  	_ =	strace s3  }
0x97: {  	_ =	strace $0x8FFFFFFF  }
0x98: {  	s19 =	sld [smem:$0x3FDB];
	_ =	sdelay $0x1  }
0x99: {  	s4 =	simm.s32 $_scs_section_size  }
0x9a: {  	s5 =	simm.s32 $_size__tile_overlayer_lowered;
	s6 =	simm.s32 $_tile_overlayer_lowered  }
0x9b: {  	s22 =	simm.s32 $0x1BFF;
	s21 =	sshll.u32 s6, $0x1;
	s3 =	sadd.s32 s4, s19  }
0x9c: {  	s7 =	simm.s32 $0x0;
	s20 =	sshll.u32 s5, $0x1;
	s5 =	sadd.s32 s21, s3  }
0x9d: {  	[timem:s7], [sflag:s22] =	dma.local [hbm:s5], s20  }
0x9e: {  	_ =	swait.ge [sflag:s22], s20  }
0x9f: {  	s4 =	ssub.s32 $0x0, s20;
	[sflag:s22] =	ssyncset.done $0x0  }
0xa0: {  	[sflag:s22] =	ssyncadd.s32 s4;
	_ =	sdelay $0x1  }
0xa1: {  	s23 =	simm.s32 $0x1B8B  }
0xa2: {  	_ =	swait.ge [sflag:s23], $0x1  }
0xa3: {  	[sflag:s23] =	ssyncset.done $0x0  }
0xa4: {  	s25 =	simm.s32 $0x1B8E;
	s24 =	sld [smem:$0x3FFE];
	[sflag:s23] =	ssyncadd.s32 $0xFFFFFFFF  }
0xa5: {  	s26 =	simm.s32 $execute0_lowered;
	[smem:$0x3FD2] =	sst s25  }
0xa6: {  	s5 =	sshll.u32 s26, $0x1;
	_ =	strace $0x80000046;
	[dreg:$0x1] =	wrdreg $0xFFFFFFFF  }
0xa7: {  	s28 =	simm.s32 $_size_execute0_lowered;
	s3 =	sadd.s32 s3, s5;
	[dreg:$0x0] =	wrdreg $0x0  }
0xa8: {  	s5 =	sshll.u32 s28, $0x1;
	[dreg:$0x2] =	wrdreg s3  }
0xa9: {  	[dreg:$0x3] =	wrdreg s5  }
0xaa: {  	[dreg:$0x4] =	wrdreg $0xC0  }
0xab: {  	_ =	task [dreg:s7], $0x5FFFF  }
0xac: {  	[dreg:$0x1] =	wrdreg $0xFFFFFFFF  }
0xad: {  	[dreg:$0x0] =	wrdreg $0x60  }
0xae: {  	[dreg:$0x2] =	wrdreg s2  }
0xaf: {  	[dreg:$0x3] =	wrdreg s24  }
0xb0: {  	[dreg:$0x4] =	wrdreg $0x9  }
0xb1: {  	_ =	task.clear_ibuf [dreg:s7], $0x5FFFF;
	_ =	strace $0x90000046  }
0xb2: {  	s29 =	simm.s32 $0x9;
	_ =	strace $0x80000048  }
0xb3: {  	_ =	swait.ge [sflag:s29], $0x1  }
0xb4: {  	[sflag:s29] =	ssyncadd.s32 $0xFFFFFFFF  }
0xb5: {  	_ =	strace $0x90000048  }
0xb6: {  	_ =	sfence  }
0xb7: {  	s30 =	sld [smem:$0x0];
	_ =	sdelay $0x2  }
0xb8: {  	s31 =	sshll.u32 s1, $0xD;
	s1 =	sshrl.u32 s1, $0x2  }
0xb9: {  	s3 =	sand.u32 $0x4000, s31;
	s1 =	sadd.s32 s1, s30  }
0xba: {  	s0 =	sor.u32 s3, s0;
	s1 =	sshll.u32 s1, $0x11  }
0xbb: {  	s0 =	sor.u32 s1, s0  }
0xbc: {  	s0 =	sadd.s32 $0x8F2B, s0  }
0xbd: {  	[sflag:s0] =	ssyncadd.remote.s32 $0x1  }
0xbe: {  	_ =	sfence.sel $0xFFFF  }
0xbf: {  	[dreg:$0x0] =	wrdreg $0xFFFFFFFF;
	(pc) =	sbr.abs _section_cstart, $3  }
0xc0: {  	[dreg:$0x1] =	wrdreg $0xFFFFFFFF  }
0xc1: {  	_ =	task.clear_ibuf [dreg:s7], $0x2FFFF;
	_ =	strace $0x9FFFFFFF  }
0xc2: {  	(tm) =	ssettm $0x7FFFFFFF  }
0xc3: {  	_ =	shalt  }
tec
execute0_lowered:
.L_overlay_start_1:
0x0: {  	(tag) =	ssettag $0x1  }
0x1: {  	s1 =	srdreg.scid;
	s4 =	rddreg [dreg:$0x0]  }
0x2: {  	s0 =	stileid.u32;
	s6 =	rddreg [dreg:$0x1]  }
0x3: {  	s11 =	simm.s32 $0x200;
	s3 =	sand.u32 $0x1, s1;
	s7 =	sand.u32 $0x3, s0  }
0x4: {  	s2 =	sshrl.u32 s0, $0x2;
	s1 =	sshll.u32 s3, $0x2;
	s9 =	sshll.u32 s7, $0x7  }
0x5: {  	s7 =	smul.u32 $0x620, s7;
	s3 =	ssub.s32 $0x2, s3;
	s5 =	sor.u32 s2, s1  }
0x6: {  	s1 =	rddreg [dreg:$0x2];
	s2 =	simm.s32 $0x0;
	s8 =	smul.u32 $0x16000, s5  }
0x7: {  	s12 =	simm.s32 $0x0;
	s31 =	sshrl.u32 s3, $0x1;
	[smem:$0x7FF] =	sst s2  }
0x8: {  	s30 =	sadd.s32 s7, s6;
	s10 =	smul.u32 $0x5800, s5;
	s8 =	sor.u32 s9, s8  }
0x9: {  	_ =	strace $0x80000047;
	s9 =	simm.s32 $0x8900;
	s8 =	sshrl.u32 s8, $0x3  }
0xa: {  	v0 =	vmov s10;
	s10 =	simm.s32 $0x80;
	s6 =	sadd.s32 s8, s6;
	s8 =	ssub.s32 s3, s31  }
0xb: {  	s3 =	sadd.s32 s4, s7;
	s4 =	sadd.s32 $0xA00, s30;
	s7 =	simm.s32 $0x5800  }
0xc: {  	v1 =	vimm.f32 $-1.000000000e+00;
	s5 =	sadd.s32 $0x2400, s6;
	s6 =	smax.u32 s8, $0x1;
	s8 =	simm.s32 $0x1  }
.LBB2_1:
0xd: {  	[tilespmem:s7], [sflag:$0x1] =	stream.linear.gather [hbm4b:s3+s2], $0x3100, $0x38;
	[tilespmem:$0xBA00] =	vst v63  }
0xe: {  	_ =	swait.ge [sflag:s8], $0x3100  }
0xf: {  	[sflag:s8] =	ssyncset.done $0x0  }
0x10: {  	[sflag:s8] =	ssyncadd.s32 $0xFFFFCF00  }
0x11: {  	[tilespmem:s9], [sflag:$0x1] =	stream.linear.gather [hbm4b:s4+s2], $0x3100, $0x38;
	[tilespmem:$0xBA00] =	vst v63  }
0x12: {  	_ =	swait.ge [sflag:s8], $0x3100  }
0x13: {  	[sflag:s8] =	ssyncset.done $0x0  }
0x14: {  	s13 =	simm.s32 $0x0;
	s14 =	simm.s32 $0x200;
	[sflag:s8] =	ssyncadd.s32 $0xFFFFCF00  }
.LBB2_2:
0x15: {  	p0 =	sne.s32 s14, $0x15E00;
	[tilespmem:s13+$0x70] =	vst v1  }
0x16: {  	[tilespmem:s13+$0x0] =	vst v1  }
0x17: {  	[tilespmem:s13+$0x10] =	vst v1  }
.Ltmp0:
0x18: {  	[tilespmem:s13+$0x20] =	vst v1;
	(pc) =	sbr.rel @p0 .LBB2_2-.Ltmp0, $4  }
0x19: {  	[tilespmem:s13+$0x30] =	vst v1  }
0x1a: {  	[tilespmem:s13+$0x40] =	vst v1  }
0x1b: {  	[tilespmem:s13+$0x50] =	vst v1  }
0x1c: {  	[tilespmem:s13+$0x60] =	vst v1;
	s13 =	sshra.s32 s14, $0x2;
	s14 =	sadd.s32 $0x200, s14  }
0x1d: {  	[tilespmem:s13+$0x70] =	vst v1  }
0x1e: {  	[tilespmem:s13+$0x0] =	vst v1  }
0x1f: {  	[tilespmem:s13+$0x10] =	vst v1  }
0x20: {  	[tilespmem:s13+$0x20] =	vst v1  }
0x21: {  	[tilespmem:s13+$0x30] =	vst v1  }
0x22: {  	[tilespmem:s13+$0x40] =	vst v1  }
0x23: {  	[tilespmem:s13+$0x50] =	vst v1  }
0x24: {  	[tilespmem:s13+$0x60] =	vst v1;
	s13 =	simm.s32 $0x0  }
.LBB2_4:
0x25: {  	s14 =	sshra.s32 s13, $0x2  }
0x26: {  	v2 =	vld [tilespmem:s14+$0x5800];
	_ =	sdelay $0x4  }
0x27: {  	v2 =	vsub.s32 v2, v0  }
0x28: {  	vm0 =	vgt.s32 v2, $0x0  }
0x29: {  	vm1 =	vlt.u32 v2, $0x5800;
	v2 =	vnsel vm0, $0x0, v2  }
0x2a: {  	v3 =	vld [tilespmem:s14+$0x8900];
	v2 =	vmin.u32 v2, $0x57FF;
	_ =	sdelay $0x4  }
0x2b: {  	[tilespmem:v2+s2+$0x0] =	vst.idx.msk vm1, v3  }
0x2c: {  	v2 =	vld [tilespmem:s14+$0x5810];
	_ =	sdelay $0x4  }
0x2d: {  	v2 =	vsub.s32 v2, v0  }
0x2e: {  	vm14 =	vgt.s32 v2, $0x0  }
0x2f: {  	vm15 =	vlt.u32 v2, $0x5800;
	v2 =	vnsel vm14, $0x0, v2  }
0x30: {  	v3 =	vld [tilespmem:s14+$0x8910];
	v2 =	vmin.u32 v2, $0x57FF;
	_ =	sdelay $0x4  }
0x31: {  	[tilespmem:v2+s2+$0x0] =	vst.idx.msk vm15, v3  }
0x32: {  	v2 =	vld [tilespmem:s14+$0x5820];
	_ =	sdelay $0x4  }
0x33: {  	v2 =	vsub.s32 v2, v0  }
0x34: {  	vm4 =	vgt.s32 v2, $0x0  }
0x35: {  	vm5 =	vlt.u32 v2, $0x5800;
	v2 =	vnsel vm4, $0x0, v2  }
0x36: {  	v3 =	vld [tilespmem:s14+$0x8920];
	v2 =	vmin.u32 v2, $0x57FF;
	_ =	sdelay $0x4  }
0x37: {  	[tilespmem:v2+s2+$0x0] =	vst.idx.msk vm5, v3  }
0x38: {  	v2 =	vld [tilespmem:s14+$0x5830];
	_ =	sdelay $0x4  }
0x39: {  	v2 =	vsub.s32 v2, v0  }
0x3a: {  	vm6 =	vgt.s32 v2, $0x0  }
0x3b: {  	vm7 =	vlt.u32 v2, $0x5800;
	v2 =	vnsel vm6, $0x0, v2  }
0x3c: {  	v3 =	vld [tilespmem:s14+$0x8930];
	v2 =	vmin.u32 v2, $0x57FF;
	_ =	sdelay $0x4  }
0x3d: {  	[tilespmem:v2+s2+$0x0] =	vst.idx.msk vm7, v3  }
0x3e: {  	v2 =	vld [tilespmem:s14+$0x5840];
	_ =	sdelay $0x4  }
0x3f: {  	v2 =	vsub.s32 v2, v0  }
0x40: {  	vm8 =	vgt.s32 v2, $0x0  }
0x41: {  	vm9 =	vlt.u32 v2, $0x5800;
	v2 =	vnsel vm8, $0x0, v2  }
0x42: {  	v3 =	vld [tilespmem:s14+$0x8940];
	v2 =	vmin.u32 v2, $0x57FF;
	_ =	sdelay $0x4  }
0x43: {  	[tilespmem:v2+s2+$0x0] =	vst.idx.msk vm9, v3  }
0x44: {  	v2 =	vld [tilespmem:s14+$0x5850];
	_ =	sdelay $0x4  }
0x45: {  	v2 =	vsub.s32 v2, v0  }
0x46: {  	vm10 =	vgt.s32 v2, $0x0  }
0x47: {  	vm11 =	vlt.u32 v2, $0x5800;
	v2 =	vnsel vm10, $0x0, v2  }
0x48: {  	v3 =	vld [tilespmem:s14+$0x8950];
	v2 =	vmin.u32 v2, $0x57FF;
	_ =	sdelay $0x4  }
0x49: {  	[tilespmem:v2+s2+$0x0] =	vst.idx.msk vm11, v3  }
0x4a: {  	v2 =	vld [tilespmem:s14+$0x5860];
	_ =	sdelay $0x4  }
0x4b: {  	v2 =	vsub.s32 v2, v0  }
0x4c: {  	vm12 =	vgt.s32 v2, $0x0  }
0x4d: {  	vm13 =	vlt.u32 v2, $0x5800;
	v2 =	vnsel vm12, $0x0, v2  }
0x4e: {  	v3 =	vld [tilespmem:s14+$0x8960];
	v2 =	vmin.u32 v2, $0x57FF;
	_ =	sdelay $0x4  }
0x4f: {  	[tilespmem:v2+s2+$0x0] =	vst.idx.msk vm13, v3  }
0x50: {  	v2 =	vld [tilespmem:s14+$0x5870];
	_ =	sdelay $0x4  }
0x51: {  	v2 =	vsub.s32 v2, v0  }
0x52: {  	vm14 =	vgt.s32 v2, $0x0  }
0x53: {  	vm15 =	vlt.u32 v2, $0x5800;
	v2 =	vnsel vm14, $0x0, v2  }
0x54: {  	p0 =	sne.s32 s13, $0xC200;
	v3 =	vld [tilespmem:s14+$0x8970];
	v2 =	vmin.u32 v2, $0x57FF  }
.Ltmp1:
0x55: {  	_ = 	snop;
	(pc) =	sbr.rel @p0 .LBB2_4-.Ltmp1, $2  }
0x56: {  	_ =	sdelay $0x2  }
0x57: {  	s13 =	sadd.s32 $0x200, s13;
	[tilespmem:v2+s2+$0x0] =	vst.idx.msk vm15, v3  }
0x58: {  	s12 =	sadd.s32 $0x1, s12  }
0x59: {  	p0 =	sne.s32 s12, s6  }
.Ltmp2:
0x5a: {  	_ = 	snop;
	(pc) =	sbr.rel @p0 .LBB2_1-.Ltmp2, $4  }
0x5b: {  	[hbm4b:s5+s10] =	stream.strided.scatter [tilespmem:s2], [sflag:$0x1], $0x5800, s11, s10, $0x38;
	[tilespmem:$0xBA00] =	vst v63  }
0x5c: {  	_ =	swait.ge [sflag:s8], $0x5800  }
0x5d: {  	[sflag:s8] =	ssyncset.done $0x0  }
0x5e: {  	[sflag:s8] =	ssyncadd.s32 $0xFFFFA800  }
0x5f: {  	_ =	sfence.sel $0x180000  }
0x60: {  	[bflag:$0x0] =	sbarrier.arrive $0xFFFF  }
0x61: {  	p0 =	sne.s32 s0, $0x0;
	_ =	strace $0x90000047  }
0x62: {  	s0 =	sadd.s32 @!p0 $0x100000, s1;
	[bflag:$0x2] =	sbarrier.arrive $0xFFFF  }
0x63: {  	[sflag:s0] =	ssyncadd.tile.s32 @!p0 $0x1;
	_ =	shalt  }
.Lfunc_end2:
_tile_overlayer_lowered:
.L_overlay_start_2:
0x64: {  	(tag) =	ssettag $0x2  }
0x65: {  	s0 =	rddreg [dreg:$0x0];
	s2 =	stileid.u32  }
0x66: {  	s1 =	rddreg [dreg:$0x1];
	p0 =	sne.s32 s2, $0x0  }
0x67: {  	s3 =	rddreg [dreg:$0x2];
	[bflag:$0x3] =	sbarrier.arrive $0xFFFF;
	s2 =	simm.s32 @!p0 $0x1C01  }
0x68: {  	[timem:s3], [sflag:s2] =	dma.local @!p0 [hbm:s0], s1  }
0x69: {  	s0 =	simm.s32 @!p0 $0x1  }
0x6a: {  	_ =	swait.ge @!p0 [sflag:s0], s1  }
0x6b: {  	s1 =	ssub.s32 @!p0 $0x0, s1;
	[sflag:s0] =	ssyncset.done @!p0 $0x0  }
0x6c: {  	[sflag:s0] =	ssyncadd.s32 @!p0 s1  }
0x6d: {  	[bflag:$0x3] =	sbarrier.arrive $0xFFFF  }
0x6e: {  	_ =	shalt  }

</sc_bundles>
